<compile_context>
chip_gen: v7x
topology: tpu7x:2x2x1
jax: 0.10.2.dev20260603
libtpu: 0.0.44.dev20260713+nightly
codegen_flags: <defaults>
</compile_context>

<pallas_src>
import functools

import numpy as np

import jax
import jax.numpy as jnp
from jax import lax
from jax.experimental import pallas as pl
from jax.experimental.pallas import tpu as pltpu
from jax.experimental.pallas import tpu_sc as plsc

N_NODES = 10000
D_IN = 128
D_OUT = 64

NC = 2
NS = 16
NW = NC * NS
NPAD = 10240
RPT = NPAD // NS
LASTR = N_NODES - 15 * RPT
CH = 200
NCH = 50
N_EDGES = NW * NCH * CH
DEG_W = 8

_mesh = plsc.VectorSubcoreMesh(core_axis_name="c", subcore_axis_name="s")
_sc_params = pltpu.CompilerParams(use_tc_tiling_on_sc=False)


@functools.partial(
    pl.kernel,
    out_type=[jax.ShapeDtypeStruct((NPAD, DEG_W), jnp.float32)] * NC,
    mesh=_mesh,
    compiler_params=_sc_params,
    scratch_types=[
        pltpu.VMEM_SHARED((NPAD, DEG_W), jnp.float32),
        pltpu.VMEM((NCH * CH,), jnp.int32),
        pltpu.VMEM((CH, DEG_W), jnp.float32),
        pltpu.SemaphoreType.DMA,
    ],
)
def _deg_kernel(dst_hbm, zeros_hbm, ones_hbm, out0_hbm, out1_hbm,
                acc_sh, dst_all, ones_v, sem):
    cid = lax.axis_index("c")
    sid = lax.axis_index("s")
    wid = sid * NC + cid
    row0 = pl.ds(sid * RPT, RPT)
    pltpu.sync_copy(zeros_hbm, acc_sh.at[row0])
    pltpu.sync_copy(ones_hbm, ones_v)
    pltpu.sync_copy(dst_hbm.at[pl.ds(wid * (NCH * CH), NCH * CH)], dst_all)
    plsc.subcore_barrier()

    GRP = 5
    NG = NCH // GRP

    def idx(j):
        return dst_all.at[pl.ds(j * CH, CH)]

    def fire(g):
        for i in range(GRP):
            pltpu.async_copy(ones_v, acc_sh.at[idx(g * GRP + i)], sem, add=True)

    def drain(g):
        for i in range(GRP):
            pltpu.make_async_copy(ones_v, acc_sh.at[idx(g * GRP + i)],
                                  sem).wait()

    fire(0)

    def body(g, _):
        fire(g)
        drain(g - 1)
        return 0

    lax.fori_loop(1, NG, body, 0)
    drain(NG - 1)
    plsc.subcore_barrier()

    @pl.when(cid == 0)
    def _():
        pltpu.sync_copy(acc_sh.at[row0], out0_hbm.at[row0])

    @pl.when(cid == 1)
    def _():
        pltpu.sync_copy(acc_sh.at[row0], out1_hbm.at[row0])


@functools.partial(
    pl.kernel,
    out_type=[jax.ShapeDtypeStruct((NPAD, D_OUT), jnp.bfloat16)] * (2 * NC),
    mesh=_mesh,
    compiler_params=_sc_params,
    scratch_types=[
        [pltpu.VMEM_SHARED((NPAD, D_OUT), jnp.bfloat16)] * 2,
        pltpu.VMEM((NCH * CH,), jnp.int32),
        pltpu.VMEM((NCH * CH,), jnp.int32),
        [pltpu.VMEM((CH, D_OUT), jnp.bfloat16)] * 6,
        [pltpu.SemaphoreType.DMA] * 6,
        [pltpu.SemaphoreType.DMA] * 6,
    ],
)
def _scatter_kernel(hs_hbm, src_hbm, dst_hbm, zeros_hbm,
                    outa0_hbm, outb0_hbm, outa1_hbm, outb1_hbm,
                    accs, src_all, dst_all, rows, semg, sems):
    cid = lax.axis_index("c")
    sid = lax.axis_index("s")
    wid = sid * NC + cid
    row0 = pl.ds(sid * RPT, RPT)
    rowl = pl.ds(15 * RPT, LASTR)

    @pl.when(jnp.logical_and(cid == 0, sid < 15))
    def _():
        pltpu.sync_copy(hs_hbm.at[row0], accs[0].at[row0])

    @pl.when(jnp.logical_and(cid == 0, sid == 15))
    def _():
        pltpu.sync_copy(hs_hbm.at[rowl], accs[0].at[rowl])

    @pl.when(jnp.logical_and(cid == 1, sid < 15))
    def _():
        pltpu.sync_copy(zeros_hbm, accs[0].at[row0])

    @pl.when(jnp.logical_and(cid == 1, sid == 15))
    def _():
        pltpu.sync_copy(zeros_hbm.at[pl.ds(0, LASTR)], accs[0].at[rowl])

    @pl.when(sid < 15)
    def _():
        pltpu.sync_copy(zeros_hbm, accs[1].at[row0])

    @pl.when(sid == 15)
    def _():
        pltpu.sync_copy(zeros_hbm.at[pl.ds(0, LASTR)], accs[1].at[rowl])

    pltpu.sync_copy(src_hbm.at[pl.ds(wid * (NCH * CH), NCH * CH)], src_all)
    pltpu.sync_copy(dst_hbm.at[pl.ds(wid * (NCH * CH), NCH * CH)], dst_all)
    plsc.subcore_barrier()

    def sidx(j):
        return src_all.at[pl.ds(j * CH, CH)]

    def didx(j):
        return dst_all.at[pl.ds(j * CH, CH)]

    def gather(j, b):
        pltpu.async_copy(hs_hbm.at[sidx(j)], rows[b], semg[b])

    def gather_wait(j, b):
        pltpu.make_async_copy(hs_hbm.at[sidx(j)], rows[b], semg[b]).wait()

    def scat(j, b):
        pltpu.async_copy(rows[b], accs[b % 2].at[didx(j)], sems[b], add=True)

    def scat_wait(j, b):
        pltpu.make_async_copy(rows[b], accs[b % 2].at[didx(j)], sems[b]).wait()

    NB = 6
    for b in range(NB):
        gather(b, b)

    def body(k, _):
        for i in range(NB):
            c = k * NB + i
            b = i
            gather_wait(c, b)
            scat(c, b)
            br = (i + 3) % NB

            @pl.when(jnp.logical_and(c >= 3, c <= NCH - 4))
            def _(c=c, b=br):
                scat_wait(c - 3, b)
                gather(c + 3, b)

        return 0

    lax.fori_loop(0, NCH // NB, body, 0)
    for c in range(NB * (NCH // NB), NCH):
        gather_wait(c, c % NB)
        scat(c, c % NB)
    for c in range(NCH - NB, NCH):
        scat_wait(c, c % NB)
    plsc.subcore_barrier()

    @pl.when(cid == 0)
    def _():
        pltpu.sync_copy(accs[0].at[row0], outa0_hbm.at[row0])
        pltpu.sync_copy(accs[1].at[row0], outb0_hbm.at[row0])

    @pl.when(cid == 1)
    def _():
        pltpu.sync_copy(accs[0].at[row0], outa1_hbm.at[row0])
        pltpu.sync_copy(accs[1].at[row0], outb1_hbm.at[row0])


_BN = 2000


def _matmul_body(x_ref, w_ref, h_ref):
    h_ref[...] = jnp.dot(x_ref[...], w_ref[...],
                         preferred_element_type=jnp.float32)


def _matmul(x, W):
    return pl.pallas_call(
        _matmul_body,
        grid=(N_NODES // _BN,),
        compiler_params=pltpu.CompilerParams(
            dimension_semantics=("arbitrary",)),
        in_specs=[
            pl.BlockSpec((_BN, D_IN), lambda i: (i, 0)),
            pl.BlockSpec((D_IN, D_OUT), lambda i: (0, 0)),
        ],
        out_specs=pl.BlockSpec((_BN, D_OUT), lambda i: (i, 0)),
        out_shape=jax.ShapeDtypeStruct((N_NODES, D_OUT), jnp.float32),
    )(x, W)


def _scale_body(h_ref, d0_ref, d1_ref, hs_ref, dis_ref):
    deg = d0_ref[...][:, 0:1] + d1_ref[...][:, 0:1] + 1.0
    dis = lax.rsqrt(deg)
    hs_ref[...] = (h_ref[...] * dis).astype(jnp.bfloat16)
    dis_ref[...] = dis


def _scale(h, d0, d1):
    return pl.pallas_call(
        _scale_body,
        grid=(N_NODES // _BN,),
        compiler_params=pltpu.CompilerParams(
            dimension_semantics=("arbitrary",)),
        in_specs=[
            pl.BlockSpec((_BN, D_OUT), lambda i: (i, 0)),
            pl.BlockSpec((_BN, DEG_W), lambda i: (i, 0)),
            pl.BlockSpec((_BN, DEG_W), lambda i: (i, 0)),
        ],
        out_specs=[
            pl.BlockSpec((_BN, D_OUT), lambda i: (i, 0)),
            pl.BlockSpec((_BN, 1), lambda i: (i, 0)),
        ],
        out_shape=[
            jax.ShapeDtypeStruct((N_NODES, D_OUT), jnp.bfloat16),
            jax.ShapeDtypeStruct((N_NODES, 1), jnp.float32),
        ],
    )(h, d0, d1)


def _combine_body(s0_ref, s1_ref, s2_ref, s3_ref, dis_ref, b_ref, out_ref):
    s = (s0_ref[...].astype(jnp.float32) + s1_ref[...].astype(jnp.float32)
         + s2_ref[...].astype(jnp.float32) + s3_ref[...].astype(jnp.float32))
    out_ref[...] = dis_ref[...] * s + b_ref[...]


def _combine(parts, dis, b2):
    return pl.pallas_call(
        _combine_body,
        grid=(N_NODES // _BN,),
        compiler_params=pltpu.CompilerParams(
            dimension_semantics=("arbitrary",)),
        in_specs=[pl.BlockSpec((_BN, D_OUT), lambda i: (i, 0))] * 4 + [
            pl.BlockSpec((_BN, 1), lambda i: (i, 0)),
            pl.BlockSpec((1, D_OUT), lambda i: (0, 0)),
        ],
        out_specs=pl.BlockSpec((_BN, D_OUT), lambda i: (i, 0)),
        out_shape=jax.ShapeDtypeStruct((N_NODES, D_OUT), jnp.float32),
    )(*parts, dis, b2)


_BE = 320000


def _edge_body(e_ref, src_ref, dst_ref):
    src_ref[...] = jnp.reshape(e_ref[0:1, :], (_BE,))
    dst_ref[...] = jnp.reshape(e_ref[1:2, :], (_BE,))


def _edge_prep(edge_index):
    n_e = edge_index.shape[1]
    return pl.pallas_call(
        _edge_body,
        grid=(n_e // _BE,),
        in_specs=[
            pl.BlockSpec((2, _BE), lambda i: (0, i)),
        ],
        out_specs=[
            pl.BlockSpec((_BE,), lambda i: (i,)),
            pl.BlockSpec((_BE,), lambda i: (i,)),
        ],
        out_shape=[
            jax.ShapeDtypeStruct((n_e,), jnp.int32),
            jax.ShapeDtypeStruct((n_e,), jnp.int32),
        ],
    )(edge_index)


_Z_DEG = np.zeros((RPT, DEG_W), np.float32)
_ONES = np.ones((CH, DEG_W), np.float32)
_Z_ACC = np.zeros((RPT, D_OUT), np.float32).astype(jnp.bfloat16)


def kernel(x, edge_index, W, b):
    src, dst = _edge_prep(edge_index)
    z_deg = _Z_DEG
    ones = _ONES
    z_acc = _Z_ACC

    h = _matmul(x, W)
    d0, d1 = _deg_kernel(dst, z_deg, ones)
    hs, dis = _scale(h, d0, d1)
    parts = _scatter_kernel(hs, src, dst, z_acc)
    return _combine(parts, dis, jnp.reshape(b, (1, D_OUT)))

# --- scband reference (transcript-rebuilt; emitter-appended) ---
"""Pipeline reference for scband-gcnsimple-2001454760654 (READ-ONLY COPY).

The authoritative reference and input builder live on the scoring server;
editing this copy changes nothing except your own understanding.
"""

import jax, jax.numpy as jnp
import numpy as np

N_NODES = 10000
N_EDGES = 320000
D_IN = 128
D_OUT = 64


def setup_inputs(seed: int = 0) -> dict:
    key = jax.random.key(seed)
    k1, k2, k3, k4 = jax.random.split(key, 4)
    x = jax.random.normal(k1, (N_NODES, D_IN), dtype=jnp.float32)
    edge_index = jax.random.randint(k2, (2, N_EDGES), 0, N_NODES, dtype=jnp.int32)
    # GCNConv linear weight (no bias inside lin; PyG GCNConv has separate bias param)
    W = jax.random.normal(k3, (D_IN, D_OUT), dtype=jnp.float32) * (1.0 / np.sqrt(D_IN))
    b = jnp.zeros((D_OUT,), dtype=jnp.float32)
    return {"x": x, "edge_index": edge_index, "W": W, "b": b}


def reference(x, edge_index, W, b):
    # Faithful PyG GCNConv: add self-loops, symmetric normalization,
    # linear transform, normalized scatter-add aggregation, bias.
    n = x.shape[0]
    self_loops = jnp.arange(n, dtype=edge_index.dtype)
    src = jnp.concatenate([edge_index[0], self_loops])
    dst = jnp.concatenate([edge_index[1], self_loops])
    # degree of destination nodes (includes self-loops)
    deg = jnp.zeros((n,), dtype=x.dtype).at[dst].add(1.0)
    deg_inv_sqrt = jnp.where(deg > 0, 1.0 / jnp.sqrt(deg), 0.0)
    norm = deg_inv_sqrt[src] * deg_inv_sqrt[dst]
    # linear transform
    h = x @ W
    # gather messages from source nodes, scale, scatter-add to destinations
    msgs = h[src] * norm[:, None]
    out = jnp.zeros((n, W.shape[1]), dtype=x.dtype).at[dst].add(msgs)
    return out + b

if __name__ == "__main__":
    import jax
    _d = setup_inputs()
    print(jax.jit(kernel)(*tuple(_d.values())))

</pallas_src>

<mosaic_0001>
#map = affine_map<(d0, d1) -> (0)>
#map1 = affine_map<(d0, d1) -> (0, 0)>
module attributes {stable_mosaic.version = 14 : i64} {
  func.func @_deg_kernel(%arg0: i32, %arg1: i32, %arg2: memref<320000xi32, #tpu.memory_space<hbm>>, %arg3: memref<640x8xf32, #tpu.memory_space<hbm>>, %arg4: memref<200x8xf32, #tpu.memory_space<hbm>>, %arg5: memref<10240x8xf32, #tpu.memory_space<hbm>>, %arg6: memref<10240x8xf32, #tpu.memory_space<hbm>>, %arg7: memref<10240x8xf32, #tpu.memory_space<vmem_shared>>, %arg8: memref<10000xi32, #tpu.memory_space<vmem>>, %arg9: memref<200x8xf32, #tpu.memory_space<vmem>>, %arg10: memref<!tpu.dma_semaphore, #tpu.memory_space<semaphore_mem>>) attributes {dimension_semantics = [#tpu.dimension_semantics<core_parallel>, #tpu.dimension_semantics<subcore_parallel>], iteration_bounds = array<i64: 2, 16>, scalar_prefetch = 0 : i64, scratch_operands = 4 : i64, tpu.core_type = #tpu.core_type<sc_vector_subcore>, window_params = [{transform_indices = #map}, {transform_indices = #map1}, {transform_indices = #map1}, {transform_indices = #map1}, {transform_indices = #map1}]} {
    %mul3A = arith.constant 2 : i32
    %mul3A_0 = arith.muli %arg1, %mul3A : i32
    %add3A = arith.addi %mul3A_0, %arg0 : i32
    %mul3A_1 = arith.constant 640 : i32
    %mul3A_2 = arith.muli %arg1, %mul3A_1 : i32
    "tpu.region"() ({
      %run_scoped3A = tpu.sem_alloc : memref<!tpu.dma_semaphore, #tpu.memory_space<semaphore_mem>>
      %dma_start3A_67 = arith.constant 0 : i32
      %dma_start3A_68 = tpu.memref_slice %arg7[%mul3A_2, %dma_start3A_67] : memref<10240x8xf32, #tpu.memory_space<vmem_shared>> -> memref<640x8xf32, #tpu.memory_space<vmem_shared>>
      tpu.enqueue_dma source(%arg3 : memref<640x8xf32, #tpu.memory_space<hbm>>) target(%dma_start3A_68 : memref<640x8xf32, #tpu.memory_space<vmem_shared>>) target_semaphore(%run_scoped3A : memref<!tpu.dma_semaphore, #tpu.memory_space<semaphore_mem>>)
      %dma_wait3A_69 = arith.constant 0 : i32
      %dma_wait3A_70 = tpu.memref_slice %arg7[%mul3A_2, %dma_wait3A_69] : memref<10240x8xf32, #tpu.memory_space<vmem_shared>> -> memref<640x8xf32, #tpu.memory_space<vmem_shared>>
      tpu.wait_dma2 semaphore(%run_scoped3A : memref<!tpu.dma_semaphore, #tpu.memory_space<semaphore_mem>>) src(%arg3 : memref<640x8xf32, #tpu.memory_space<hbm>>) dst(%dma_wait3A_70 : memref<640x8xf32, #tpu.memory_space<vmem_shared>>)
      tpu.yield
    }) : () -> ()
    "tpu.region"() ({
      %run_scoped3A = tpu.sem_alloc : memref<!tpu.dma_semaphore, #tpu.memory_space<semaphore_mem>>
      tpu.enqueue_dma source(%arg4 : memref<200x8xf32, #tpu.memory_space<hbm>>) target(%arg9 : memref<200x8xf32, #tpu.memory_space<vmem>>) target_semaphore(%run_scoped3A : memref<!tpu.dma_semaphore, #tpu.memory_space<semaphore_mem>>)
      tpu.wait_dma2 semaphore(%run_scoped3A : memref<!tpu.dma_semaphore, #tpu.memory_space<semaphore_mem>>) src(%arg4 : memref<200x8xf32, #tpu.memory_space<hbm>>) dst(%arg9 : memref<200x8xf32, #tpu.memory_space<vmem>>)
      tpu.yield
    }) : () -> ()
    %mul3A_3 = arith.constant 10000 : i32
    %mul3A_4 = arith.muli %add3A, %mul3A_3 : i32
    "tpu.region"() ({
      %run_scoped3A = tpu.sem_alloc : memref<!tpu.dma_semaphore, #tpu.memory_space<semaphore_mem>>
      %dma_start3A_67 = tpu.memref_slice %arg2[%mul3A_4] : memref<320000xi32, #tpu.memory_space<hbm>> -> memref<10000xi32, #tpu.memory_space<hbm>>
      %dma_start3A_68 = tpu.memref_slice %arg2[%mul3A_4] : memref<320000xi32, #tpu.memory_space<hbm>> -> memref<10000xi32, #tpu.memory_space<hbm>>
      tpu.enqueue_dma source(%dma_start3A_68 : memref<10000xi32, #tpu.memory_space<hbm>>) target(%arg8 : memref<10000xi32, #tpu.memory_space<vmem>>) target_semaphore(%run_scoped3A : memref<!tpu.dma_semaphore, #tpu.memory_space<semaphore_mem>>)
      %dma_wait3A_69 = tpu.memref_slice %arg2[%mul3A_4] : memref<320000xi32, #tpu.memory_space<hbm>> -> memref<10000xi32, #tpu.memory_space<hbm>>
      %dma_wait3A_70 = tpu.memref_slice %arg2[%mul3A_4] : memref<320000xi32, #tpu.memory_space<hbm>> -> memref<10000xi32, #tpu.memory_space<hbm>>
      tpu.wait_dma2 semaphore(%run_scoped3A : memref<!tpu.dma_semaphore, #tpu.memory_space<semaphore_mem>>) src(%dma_wait3A_70 : memref<10000xi32, #tpu.memory_space<hbm>>) dst(%arg8 : memref<10000xi32, #tpu.memory_space<vmem>>)
      tpu.yield
    }) : () -> ()
    %barrier3A = arith.constant 0 : index
    tpu.barrier barrier_id(%barrier3A)
    %dma_start3A = arith.constant 0 : i32
    %dma_start3A_5 = tpu.memref_slice %arg8[%dma_start3A] : memref<10000xi32, #tpu.memory_space<vmem>> -> memref<200xi32, #tpu.memory_space<vmem>>
    %dma_start3A_6 = arith.constant 0 : i32
    %dma_start3A_7 = arith.constant 0 : i32
    %dma_start3A_8 = tpu.memref_slice %arg7[%dma_start3A_6, %dma_start3A_7] : memref<10240x8xf32, #tpu.memory_space<vmem_shared>> -> memref<10240x8xf32, #tpu.memory_space<vmem_shared>>
    tpu.enqueue_indirect_dma source(%arg9 : memref<200x8xf32, #tpu.memory_space<vmem>>) target(%dma_start3A_8 : memref<10240x8xf32, #tpu.memory_space<vmem_shared>>) offsets(%dma_start3A_5 : memref<200xi32, #tpu.memory_space<vmem>>) semaphore(%arg10 : memref<!tpu.dma_semaphore, #tpu.memory_space<semaphore_mem>>) {add = true}
    %dma_start3A_9 = arith.constant 200 : i32
    %dma_start3A_10 = tpu.memref_slice %arg8[%dma_start3A_9] : memref<10000xi32, #tpu.memory_space<vmem>> -> memref<200xi32, #tpu.memory_space<vmem>>
    %dma_start3A_11 = arith.constant 0 : i32
    %dma_start3A_12 = arith.constant 0 : i32
    %dma_start3A_13 = tpu.memref_slice %arg7[%dma_start3A_11, %dma_start3A_12] : memref<10240x8xf32, #tpu.memory_space<vmem_shared>> -> memref<10240x8xf32, #tpu.memory_space<vmem_shared>>
    tpu.enqueue_indirect_dma source(%arg9 : memref<200x8xf32, #tpu.memory_space<vmem>>) target(%dma_start3A_13 : memref<10240x8xf32, #tpu.memory_space<vmem_shared>>) offsets(%dma_start3A_10 : memref<200xi32, #tpu.memory_space<vmem>>) semaphore(%arg10 : memref<!tpu.dma_semaphore, #tpu.memory_space<semaphore_mem>>) {add = true}
    %dma_start3A_14 = arith.constant 400 : i32
    %dma_start3A_15 = tpu.memref_slice %arg8[%dma_start3A_14] : memref<10000xi32, #tpu.memory_space<vmem>> -> memref<200xi32, #tpu.memory_space<vmem>>
    %dma_start3A_16 = arith.constant 0 : i32
    %dma_start3A_17 = arith.constant 0 : i32
    %dma_start3A_18 = tpu.memref_slice %arg7[%dma_start3A_16, %dma_start3A_17] : memref<10240x8xf32, #tpu.memory_space<vmem_shared>> -> memref<10240x8xf32, #tpu.memory_space<vmem_shared>>
    tpu.enqueue_indirect_dma source(%arg9 : memref<200x8xf32, #tpu.memory_space<vmem>>) target(%dma_start3A_18 : memref<10240x8xf32, #tpu.memory_space<vmem_shared>>) offsets(%dma_start3A_15 : memref<200xi32, #tpu.memory_space<vmem>>) semaphore(%arg10 : memref<!tpu.dma_semaphore, #tpu.memory_space<semaphore_mem>>) {add = true}
    %dma_start3A_19 = arith.constant 600 : i32
    %dma_start3A_20 = tpu.memref_slice %arg8[%dma_start3A_19] : memref<10000xi32, #tpu.memory_space<vmem>> -> memref<200xi32, #tpu.memory_space<vmem>>
    %dma_start3A_21 = arith.constant 0 : i32
    %dma_start3A_22 = arith.constant 0 : i32
    %dma_start3A_23 = tpu.memref_slice %arg7[%dma_start3A_21, %dma_start3A_22] : memref<10240x8xf32, #tpu.memory_space<vmem_shared>> -> memref<10240x8xf32, #tpu.memory_space<vmem_shared>>
    tpu.enqueue_indirect_dma source(%arg9 : memref<200x8xf32, #tpu.memory_space<vmem>>) target(%dma_start3A_23 : memref<10240x8xf32, #tpu.memory_space<vmem_shared>>) offsets(%dma_start3A_20 : memref<200xi32, #tpu.memory_space<vmem>>) semaphore(%arg10 : memref<!tpu.dma_semaphore, #tpu.memory_space<semaphore_mem>>) {add = true}
    %dma_start3A_24 = arith.constant 800 : i32
    %dma_start3A_25 = tpu.memref_slice %arg8[%dma_start3A_24] : memref<10000xi32, #tpu.memory_space<vmem>> -> memref<200xi32, #tpu.memory_space<vmem>>
    %dma_start3A_26 = arith.constant 0 : i32
    %dma_start3A_27 = arith.constant 0 : i32
    %dma_start3A_28 = tpu.memref_slice %arg7[%dma_start3A_26, %dma_start3A_27] : memref<10240x8xf32, #tpu.memory_space<vmem_shared>> -> memref<10240x8xf32, #tpu.memory_space<vmem_shared>>
    tpu.enqueue_indirect_dma source(%arg9 : memref<200x8xf32, #tpu.memory_space<vmem>>) target(%dma_start3A_28 : memref<10240x8xf32, #tpu.memory_space<vmem_shared>>) offsets(%dma_start3A_25 : memref<200xi32, #tpu.memory_space<vmem>>) semaphore(%arg10 : memref<!tpu.dma_semaphore, #tpu.memory_space<semaphore_mem>>) {add = true}
    %scan3A = arith.constant 0 : i32
    %scan3A_29 = arith.constant 1 : i32
    %scan3A_30 = arith.constant 9 : i32
    %scan3A_31 = arith.addi %scan3A_29, %scan3A_30 : i32
    %scan3A_32 = arith.constant 1 : i32
    %scan3A_33 = scf.for %scan3A_67 = %scan3A_29 to %scan3A_31 step %scan3A_32 iter_args(%scan3A_68 = %scan3A) -> (i32)  : i32 {
      %mul3A_69 = arith.constant 5 : i32
      %mul3A_70 = arith.muli %scan3A_67, %mul3A_69 : i32
      %add3A_71 = arith.constant 0 : i32
      %add3A_72 = arith.addi %mul3A_70, %add3A_71 : i32
      %mul3A_73 = arith.constant 200 : i32
      %mul3A_74 = arith.muli %add3A_72, %mul3A_73 : i32
      %dma_start3A_75 = tpu.memref_slice %arg8[%mul3A_74] : memref<10000xi32, #tpu.memory_space<vmem>> -> memref<200xi32, #tpu.memory_space<vmem>>
      %dma_start3A_76 = arith.constant 0 : i32
      %dma_start3A_77 = arith.constant 0 : i32
      %dma_start3A_78 = tpu.memref_slice %arg7[%dma_start3A_76, %dma_start3A_77] : memref<10240x8xf32, #tpu.memory_space<vmem_shared>> -> memref<10240x8xf32, #tpu.memory_space<vmem_shared>>
      tpu.enqueue_indirect_dma source(%arg9 : memref<200x8xf32, #tpu.memory_space<vmem>>) target(%dma_start3A_78 : memref<10240x8xf32, #tpu.memory_space<vmem_shared>>) offsets(%dma_start3A_75 : memref<200xi32, #tpu.memory_space<vmem>>) semaphore(%arg10 : memref<!tpu.dma_semaphore, #tpu.memory_space<semaphore_mem>>) {add = true}
      %mul3A_79 = arith.constant 5 : i32
      %mul3A_80 = arith.muli %scan3A_67, %mul3A_79 : i32
      %add3A_81 = arith.constant 1 : i32
      %add3A_82 = arith.addi %mul3A_80, %add3A_81 : i32
      %mul3A_83 = arith.constant 200 : i32
      %mul3A_84 = arith.muli %add3A_82, %mul3A_83 : i32
      %dma_start3A_85 = tpu.memref_slice %arg8[%mul3A_84] : memref<10000xi32, #tpu.memory_space<vmem>> -> memref<200xi32, #tpu.memory_space<vmem>>
      %dma_start3A_86 = arith.constant 0 : i32
      %dma_start3A_87 = arith.constant 0 : i32
      %dma_start3A_88 = tpu.memref_slice %arg7[%dma_start3A_86, %dma_start3A_87] : memref<10240x8xf32, #tpu.memory_space<vmem_shared>> -> memref<10240x8xf32, #tpu.memory_space<vmem_shared>>
      tpu.enqueue_indirect_dma source(%arg9 : memref<200x8xf32, #tpu.memory_space<vmem>>) target(%dma_start3A_88 : memref<10240x8xf32, #tpu.memory_space<vmem_shared>>) offsets(%dma_start3A_85 : memref<200xi32, #tpu.memory_space<vmem>>) semaphore(%arg10 : memref<!tpu.dma_semaphore, #tpu.memory_space<semaphore_mem>>) {add = true}
      %mul3A_89 = arith.constant 5 : i32
      %mul3A_90 = arith.muli %scan3A_67, %mul3A_89 : i32
      %add3A_91 = arith.constant 2 : i32
      %add3A_92 = arith.addi %mul3A_90, %add3A_91 : i32
      %mul3A_93 = arith.constant 200 : i32
      %mul3A_94 = arith.muli %add3A_92, %mul3A_93 : i32
      %dma_start3A_95 = tpu.memref_slice %arg8[%mul3A_94] : memref<10000xi32, #tpu.memory_space<vmem>> -> memref<200xi32, #tpu.memory_space<vmem>>
      %dma_start3A_96 = arith.constant 0 : i32
      %dma_start3A_97 = arith.constant 0 : i32
      %dma_start3A_98 = tpu.memref_slice %arg7[%dma_start3A_96, %dma_start3A_97] : memref<10240x8xf32, #tpu.memory_space<vmem_shared>> -> memref<10240x8xf32, #tpu.memory_space<vmem_shared>>
      tpu.enqueue_indirect_dma source(%arg9 : memref<200x8xf32, #tpu.memory_space<vmem>>) target(%dma_start3A_98 : memref<10240x8xf32, #tpu.memory_space<vmem_shared>>) offsets(%dma_start3A_95 : memref<200xi32, #tpu.memory_space<vmem>>) semaphore(%arg10 : memref<!tpu.dma_semaphore, #tpu.memory_space<semaphore_mem>>) {add = true}
      %mul3A_99 = arith.constant 5 : i32
      %mul3A_100 = arith.muli %scan3A_67, %mul3A_99 : i32
      %add3A_101 = arith.constant 3 : i32
      %add3A_102 = arith.addi %mul3A_100, %add3A_101 : i32
      %mul3A_103 = arith.constant 200 : i32
      %mul3A_104 = arith.muli %add3A_102, %mul3A_103 : i32
      %dma_start3A_105 = tpu.memref_slice %arg8[%mul3A_104] : memref<10000xi32, #tpu.memory_space<vmem>> -> memref<200xi32, #tpu.memory_space<vmem>>
      %dma_start3A_106 = arith.constant 0 : i32
      %dma_start3A_107 = arith.constant 0 : i32
      %dma_start3A_108 = tpu.memref_slice %arg7[%dma_start3A_106, %dma_start3A_107] : memref<10240x8xf32, #tpu.memory_space<vmem_shared>> -> memref<10240x8xf32, #tpu.memory_space<vmem_shared>>
      tpu.enqueue_indirect_dma source(%arg9 : memref<200x8xf32, #tpu.memory_space<vmem>>) target(%dma_start3A_108 : memref<10240x8xf32, #tpu.memory_space<vmem_shared>>) offsets(%dma_start3A_105 : memref<200xi32, #tpu.memory_space<vmem>>) semaphore(%arg10 : memref<!tpu.dma_semaphore, #tpu.memory_space<semaphore_mem>>) {add = true}
      %mul3A_109 = arith.constant 5 : i32
      %mul3A_110 = arith.muli %scan3A_67, %mul3A_109 : i32
      %add3A_111 = arith.constant 4 : i32
      %add3A_112 = arith.addi %mul3A_110, %add3A_111 : i32
      %mul3A_113 = arith.constant 200 : i32
      %mul3A_114 = arith.muli %add3A_112, %mul3A_113 : i32
      %dma_start3A_115 = tpu.memref_slice %arg8[%mul3A_114] : memref<10000xi32, #tpu.memory_space<vmem>> -> memref<200xi32, #tpu.memory_space<vmem>>
      %dma_start3A_116 = arith.constant 0 : i32
      %dma_start3A_117 = arith.constant 0 : i32
      %dma_start3A_118 = tpu.memref_slice %arg7[%dma_start3A_116, %dma_start3A_117] : memref<10240x8xf32, #tpu.memory_space<vmem_shared>> -> memref<10240x8xf32, #tpu.memory_space<vmem_shared>>
      tpu.enqueue_indirect_dma source(%arg9 : memref<200x8xf32, #tpu.memory_space<vmem>>) target(%dma_start3A_118 : memref<10240x8xf32, #tpu.memory_space<vmem_shared>>) offsets(%dma_start3A_115 : memref<200xi32, #tpu.memory_space<vmem>>) semaphore(%arg10 : memref<!tpu.dma_semaphore, #tpu.memory_space<semaphore_mem>>) {add = true}
      %sub3A = arith.constant 1 : i32
      %sub3A_119 = arith.subi %scan3A_67, %sub3A : i32
      %mul3A_120 = arith.constant 5 : i32
      %mul3A_121 = arith.muli %sub3A_119, %mul3A_120 : i32
      %add3A_122 = arith.constant 0 : i32
      %add3A_123 = arith.addi %mul3A_121, %add3A_122 : i32
      %mul3A_124 = arith.constant 200 : i32
      %mul3A_125 = arith.muli %add3A_123, %mul3A_124 : i32
      %dma_wait3A_126 = tpu.memref_slice %arg8[%mul3A_125] : memref<10000xi32, #tpu.memory_space<vmem>> -> memref<200xi32, #tpu.memory_space<vmem>>
      %dma_wait3A_127 = arith.constant 0 : i32
      %dma_wait3A_128 = arith.constant 0 : i32
      %dma_wait3A_129 = tpu.memref_slice %arg7[%dma_wait3A_127, %dma_wait3A_128] : memref<10240x8xf32, #tpu.memory_space<vmem_shared>> -> memref<10240x8xf32, #tpu.memory_space<vmem_shared>>
      tpu.wait_indirect_dma semaphore(%arg10 : memref<!tpu.dma_semaphore, #tpu.memory_space<semaphore_mem>>) src(%arg9 : memref<200x8xf32, #tpu.memory_space<vmem>>) dst(%dma_wait3A_129 : memref<10240x8xf32, #tpu.memory_space<vmem_shared>>)
      %mul3A_130 = arith.constant 5 : i32
      %mul3A_131 = arith.muli %sub3A_119, %mul3A_130 : i32
      %add3A_132 = arith.constant 1 : i32
      %add3A_133 = arith.addi %mul3A_131, %add3A_132 : i32
      %mul3A_134 = arith.constant 200 : i32
      %mul3A_135 = arith.muli %add3A_133, %mul3A_134 : i32
      %dma_wait3A_136 = tpu.memref_slice %arg8[%mul3A_135] : memref<10000xi32, #tpu.memory_space<vmem>> -> memref<200xi32, #tpu.memory_space<vmem>>
      %dma_wait3A_137 = arith.constant 0 : i32
      %dma_wait3A_138 = arith.constant 0 : i32
      %dma_wait3A_139 = tpu.memref_slice %arg7[%dma_wait3A_137, %dma_wait3A_138] : memref<10240x8xf32, #tpu.memory_space<vmem_shared>> -> memref<10240x8xf32, #tpu.memory_space<vmem_shared>>
      tpu.wait_indirect_dma semaphore(%arg10 : memref<!tpu.dma_semaphore, #tpu.memory_space<semaphore_mem>>) src(%arg9 : memref<200x8xf32, #tpu.memory_space<vmem>>) dst(%dma_wait3A_139 : memref<10240x8xf32, #tpu.memory_space<vmem_shared>>)
      %mul3A_140 = arith.constant 5 : i32
      %mul3A_141 = arith.muli %sub3A_119, %mul3A_140 : i32
      %add3A_142 = arith.constant 2 : i32
      %add3A_143 = arith.addi %mul3A_141, %add3A_142 : i32
      %mul3A_144 = arith.constant 200 : i32
      %mul3A_145 = arith.muli %add3A_143, %mul3A_144 : i32
      %dma_wait3A_146 = tpu.memref_slice %arg8[%mul3A_145] : memref<10000xi32, #tpu.memory_space<vmem>> -> memref<200xi32, #tpu.memory_space<vmem>>
      %dma_wait3A_147 = arith.constant 0 : i32
      %dma_wait3A_148 = arith.constant 0 : i32
      %dma_wait3A_149 = tpu.memref_slice %arg7[%dma_wait3A_147, %dma_wait3A_148] : memref<10240x8xf32, #tpu.memory_space<vmem_shared>> -> memref<10240x8xf32, #tpu.memory_space<vmem_shared>>
      tpu.wait_indirect_dma semaphore(%arg10 : memref<!tpu.dma_semaphore, #tpu.memory_space<semaphore_mem>>) src(%arg9 : memref<200x8xf32, #tpu.memory_space<vmem>>) dst(%dma_wait3A_149 : memref<10240x8xf32, #tpu.memory_space<vmem_shared>>)
      %mul3A_150 = arith.constant 5 : i32
      %mul3A_151 = arith.muli %sub3A_119, %mul3A_150 : i32
      %add3A_152 = arith.constant 3 : i32
      %add3A_153 = arith.addi %mul3A_151, %add3A_152 : i32
      %mul3A_154 = arith.constant 200 : i32
      %mul3A_155 = arith.muli %add3A_153, %mul3A_154 : i32
      %dma_wait3A_156 = tpu.memref_slice %arg8[%mul3A_155] : memref<10000xi32, #tpu.memory_space<vmem>> -> memref<200xi32, #tpu.memory_space<vmem>>
      %dma_wait3A_157 = arith.constant 0 : i32
      %dma_wait3A_158 = arith.constant 0 : i32
      %dma_wait3A_159 = tpu.memref_slice %arg7[%dma_wait3A_157, %dma_wait3A_158] : memref<10240x8xf32, #tpu.memory_space<vmem_shared>> -> memref<10240x8xf32, #tpu.memory_space<vmem_shared>>
      tpu.wait_indirect_dma semaphore(%arg10 : memref<!tpu.dma_semaphore, #tpu.memory_space<semaphore_mem>>) src(%arg9 : memref<200x8xf32, #tpu.memory_space<vmem>>) dst(%dma_wait3A_159 : memref<10240x8xf32, #tpu.memory_space<vmem_shared>>)
      %mul3A_160 = arith.constant 5 : i32
      %mul3A_161 = arith.muli %sub3A_119, %mul3A_160 : i32
      %add3A_162 = arith.constant 4 : i32
      %add3A_163 = arith.addi %mul3A_161, %add3A_162 : i32
      %mul3A_164 = arith.constant 200 : i32
      %mul3A_165 = arith.muli %add3A_163, %mul3A_164 : i32
      %dma_wait3A_166 = tpu.memref_slice %arg8[%mul3A_165] : memref<10000xi32, #tpu.memory_space<vmem>> -> memref<200xi32, #tpu.memory_space<vmem>>
      %dma_wait3A_167 = arith.constant 0 : i32
      %dma_wait3A_168 = arith.constant 0 : i32
      %dma_wait3A_169 = tpu.memref_slice %arg7[%dma_wait3A_167, %dma_wait3A_168] : memref<10240x8xf32, #tpu.memory_space<vmem_shared>> -> memref<10240x8xf32, #tpu.memory_space<vmem_shared>>
      tpu.wait_indirect_dma semaphore(%arg10 : memref<!tpu.dma_semaphore, #tpu.memory_space<semaphore_mem>>) src(%arg9 : memref<200x8xf32, #tpu.memory_space<vmem>>) dst(%dma_wait3A_169 : memref<10240x8xf32, #tpu.memory_space<vmem_shared>>)
      %scan3A_170 = arith.constant 0 : i32
      scf.yield %scan3A_170 : i32
    }
    %scan3A_34 = arith.constant 9 : i32
    %dma_wait3A = arith.constant 9000 : i32
    %dma_wait3A_35 = tpu.memref_slice %arg8[%dma_wait3A] : memref<10000xi32, #tpu.memory_space<vmem>> -> memref<200xi32, #tpu.memory_space<vmem>>
    %dma_wait3A_36 = arith.constant 0 : i32
    %dma_wait3A_37 = arith.constant 0 : i32
    %dma_wait3A_38 = tpu.memref_slice %arg7[%dma_wait3A_36, %dma_wait3A_37] : memref<10240x8xf32, #tpu.memory_space<vmem_shared>> -> memref<10240x8xf32, #tpu.memory_space<vmem_shared>>
    tpu.wait_indirect_dma semaphore(%arg10 : memref<!tpu.dma_semaphore, #tpu.memory_space<semaphore_mem>>) src(%arg9 : memref<200x8xf32, #tpu.memory_space<vmem>>) dst(%dma_wait3A_38 : memref<10240x8xf32, #tpu.memory_space<vmem_shared>>)
    %dma_wait3A_39 = arith.constant 9200 : i32
    %dma_wait3A_40 = tpu.memref_slice %arg8[%dma_wait3A_39] : memref<10000xi32, #tpu.memory_space<vmem>> -> memref<200xi32, #tpu.memory_space<vmem>>
    %dma_wait3A_41 = arith.constant 0 : i32
    %dma_wait3A_42 = arith.constant 0 : i32
    %dma_wait3A_43 = tpu.memref_slice %arg7[%dma_wait3A_41, %dma_wait3A_42] : memref<10240x8xf32, #tpu.memory_space<vmem_shared>> -> memref<10240x8xf32, #tpu.memory_space<vmem_shared>>
    tpu.wait_indirect_dma semaphore(%arg10 : memref<!tpu.dma_semaphore, #tpu.memory_space<semaphore_mem>>) src(%arg9 : memref<200x8xf32, #tpu.memory_space<vmem>>) dst(%dma_wait3A_43 : memref<10240x8xf32, #tpu.memory_space<vmem_shared>>)
    %dma_wait3A_44 = arith.constant 9400 : i32
    %dma_wait3A_45 = tpu.memref_slice %arg8[%dma_wait3A_44] : memref<10000xi32, #tpu.memory_space<vmem>> -> memref<200xi32, #tpu.memory_space<vmem>>
    %dma_wait3A_46 = arith.constant 0 : i32
    %dma_wait3A_47 = arith.constant 0 : i32
    %dma_wait3A_48 = tpu.memref_slice %arg7[%dma_wait3A_46, %dma_wait3A_47] : memref<10240x8xf32, #tpu.memory_space<vmem_shared>> -> memref<10240x8xf32, #tpu.memory_space<vmem_shared>>
    tpu.wait_indirect_dma semaphore(%arg10 : memref<!tpu.dma_semaphore, #tpu.memory_space<semaphore_mem>>) src(%arg9 : memref<200x8xf32, #tpu.memory_space<vmem>>) dst(%dma_wait3A_48 : memref<10240x8xf32, #tpu.memory_space<vmem_shared>>)
    %dma_wait3A_49 = arith.constant 9600 : i32
    %dma_wait3A_50 = tpu.memref_slice %arg8[%dma_wait3A_49] : memref<10000xi32, #tpu.memory_space<vmem>> -> memref<200xi32, #tpu.memory_space<vmem>>
    %dma_wait3A_51 = arith.constant 0 : i32
    %dma_wait3A_52 = arith.constant 0 : i32
    %dma_wait3A_53 = tpu.memref_slice %arg7[%dma_wait3A_51, %dma_wait3A_52] : memref<10240x8xf32, #tpu.memory_space<vmem_shared>> -> memref<10240x8xf32, #tpu.memory_space<vmem_shared>>
    tpu.wait_indirect_dma semaphore(%arg10 : memref<!tpu.dma_semaphore, #tpu.memory_space<semaphore_mem>>) src(%arg9 : memref<200x8xf32, #tpu.memory_space<vmem>>) dst(%dma_wait3A_53 : memref<10240x8xf32, #tpu.memory_space<vmem_shared>>)
    %dma_wait3A_54 = arith.constant 9800 : i32
    %dma_wait3A_55 = tpu.memref_slice %arg8[%dma_wait3A_54] : memref<10000xi32, #tpu.memory_space<vmem>> -> memref<200xi32, #tpu.memory_space<vmem>>
    %dma_wait3A_56 = arith.constant 0 : i32
    %dma_wait3A_57 = arith.constant 0 : i32
    %dma_wait3A_58 = tpu.memref_slice %arg7[%dma_wait3A_56, %dma_wait3A_57] : memref<10240x8xf32, #tpu.memory_space<vmem_shared>> -> memref<10240x8xf32, #tpu.memory_space<vmem_shared>>
    tpu.wait_indirect_dma semaphore(%arg10 : memref<!tpu.dma_semaphore, #tpu.memory_space<semaphore_mem>>) src(%arg9 : memref<200x8xf32, #tpu.memory_space<vmem>>) dst(%dma_wait3A_58 : memref<10240x8xf32, #tpu.memory_space<vmem_shared>>)
    %barrier3A_59 = arith.constant 0 : index
    tpu.barrier barrier_id(%barrier3A_59)
    %eq3A = arith.constant 0 : i32
    %eq3A_60 = arith.cmpi eq, %arg0, %eq3A : i32
    %convert_element_type3A = arith.extui %eq3A_60 : i1 to i32
    %cond3A = arith.constant 0 : i32
    %cond3A_61 = arith.cmpi ne, %convert_element_type3A, %cond3A : i32
    scf.if %cond3A_61 {
      "tpu.region"() ({
        %run_scoped3A = tpu.sem_alloc : memref<!tpu.dma_semaphore, #tpu.memory_space<semaphore_mem>>
        %dma_start3A_67 = arith.constant 0 : i32
        %dma_start3A_68 = tpu.memref_slice %arg5[%mul3A_2, %dma_start3A_67] : memref<10240x8xf32, #tpu.memory_space<hbm>> -> memref<640x8xf32, #tpu.memory_space<hbm>>
        %dma_start3A_69 = arith.constant 0 : i32
        %dma_start3A_70 = tpu.memref_slice %arg7[%mul3A_2, %dma_start3A_69] : memref<10240x8xf32, #tpu.memory_space<vmem_shared>> -> memref<640x8xf32, #tpu.memory_space<vmem_shared>>
        tpu.enqueue_dma source(%dma_start3A_70 : memref<640x8xf32, #tpu.memory_space<vmem_shared>>) target(%dma_start3A_68 : memref<640x8xf32, #tpu.memory_space<hbm>>) target_semaphore(%run_scoped3A : memref<!tpu.dma_semaphore, #tpu.memory_space<semaphore_mem>>)
        %dma_wait3A_71 = arith.constant 0 : i32
        %dma_wait3A_72 = tpu.memref_slice %arg5[%mul3A_2, %dma_wait3A_71] : memref<10240x8xf32, #tpu.memory_space<hbm>> -> memref<640x8xf32, #tpu.memory_space<hbm>>
        %dma_wait3A_73 = arith.constant 0 : i32
        %dma_wait3A_74 = tpu.memref_slice %arg7[%mul3A_2, %dma_wait3A_73] : memref<10240x8xf32, #tpu.memory_space<vmem_shared>> -> memref<640x8xf32, #tpu.memory_space<vmem_shared>>
        tpu.wait_dma2 semaphore(%run_scoped3A : memref<!tpu.dma_semaphore, #tpu.memory_space<semaphore_mem>>) src(%dma_wait3A_74 : memref<640x8xf32, #tpu.memory_space<vmem_shared>>) dst(%dma_wait3A_72 : memref<640x8xf32, #tpu.memory_space<hbm>>)
        tpu.yield
      }) : () -> ()
    } else {
    }
    %eq3A_62 = arith.constant 1 : i32
    %eq3A_63 = arith.cmpi eq, %arg0, %eq3A_62 : i32
    %convert_element_type3A_64 = arith.extui %eq3A_63 : i1 to i32
    %cond3A_65 = arith.constant 0 : i32
    %cond3A_66 = arith.cmpi ne, %convert_element_type3A_64, %cond3A_65 : i32
    scf.if %cond3A_66 {
      "tpu.region"() ({
        %run_scoped3A = tpu.sem_alloc : memref<!tpu.dma_semaphore, #tpu.memory_space<semaphore_mem>>
        %dma_start3A_67 = arith.constant 0 : i32
        %dma_start3A_68 = tpu.memref_slice %arg6[%mul3A_2, %dma_start3A_67] : memref<10240x8xf32, #tpu.memory_space<hbm>> -> memref<640x8xf32, #tpu.memory_space<hbm>>
        %dma_start3A_69 = arith.constant 0 : i32
        %dma_start3A_70 = tpu.memref_slice %arg7[%mul3A_2, %dma_start3A_69] : memref<10240x8xf32, #tpu.memory_space<vmem_shared>> -> memref<640x8xf32, #tpu.memory_space<vmem_shared>>
        tpu.enqueue_dma source(%dma_start3A_70 : memref<640x8xf32, #tpu.memory_space<vmem_shared>>) target(%dma_start3A_68 : memref<640x8xf32, #tpu.memory_space<hbm>>) target_semaphore(%run_scoped3A : memref<!tpu.dma_semaphore, #tpu.memory_space<semaphore_mem>>)
        %dma_wait3A_71 = arith.constant 0 : i32
        %dma_wait3A_72 = tpu.memref_slice %arg6[%mul3A_2, %dma_wait3A_71] : memref<10240x8xf32, #tpu.memory_space<hbm>> -> memref<640x8xf32, #tpu.memory_space<hbm>>
        %dma_wait3A_73 = arith.constant 0 : i32
        %dma_wait3A_74 = tpu.memref_slice %arg7[%mul3A_2, %dma_wait3A_73] : memref<10240x8xf32, #tpu.memory_space<vmem_shared>> -> memref<640x8xf32, #tpu.memory_space<vmem_shared>>
        tpu.wait_dma2 semaphore(%run_scoped3A : memref<!tpu.dma_semaphore, #tpu.memory_space<semaphore_mem>>) src(%dma_wait3A_74 : memref<640x8xf32, #tpu.memory_space<vmem_shared>>) dst(%dma_wait3A_72 : memref<640x8xf32, #tpu.memory_space<hbm>>)
        tpu.yield
      }) : () -> ()
    } else {
    }
    return
  }
}

#map = affine_map<(d0, d1) -> (0, 0)>
#map1 = affine_map<(d0, d1) -> (0)>
module attributes {stable_mosaic.version = 14 : i64} {
  func.func @_scatter_kernel(%arg0: i32, %arg1: i32, %arg2: memref<10000x64xbf16, #tpu.memory_space<hbm>>, %arg3: memref<320000xi32, #tpu.memory_space<hbm>>, %arg4: memref<320000xi32, #tpu.memory_space<hbm>>, %arg5: memref<640x64xbf16, #tpu.memory_space<hbm>>, %arg6: memref<10240x64xbf16, #tpu.memory_space<hbm>>, %arg7: memref<10240x64xbf16, #tpu.memory_space<hbm>>, %arg8: memref<10240x64xbf16, #tpu.memory_space<hbm>>, %arg9: memref<10240x64xbf16, #tpu.memory_space<hbm>>, %arg10: memref<10240x64xbf16, #tpu.memory_space<vmem_shared>>, %arg11: memref<10240x64xbf16, #tpu.memory_space<vmem_shared>>, %arg12: memref<10000xi32, #tpu.memory_space<vmem>>, %arg13: memref<10000xi32, #tpu.memory_space<vmem>>, %arg14: memref<200x64xbf16, #tpu.memory_space<vmem>>, %arg15: memref<200x64xbf16, #tpu.memory_space<vmem>>, %arg16: memref<200x64xbf16, #tpu.memory_space<vmem>>, %arg17: memref<200x64xbf16, #tpu.memory_space<vmem>>, %arg18: memref<200x64xbf16, #tpu.memory_space<vmem>>, %arg19: memref<200x64xbf16, #tpu.memory_space<vmem>>, %arg20: memref<!tpu.dma_semaphore, #tpu.memory_space<semaphore_mem>>, %arg21: memref<!tpu.dma_semaphore, #tpu.memory_space<semaphore_mem>>, %arg22: memref<!tpu.dma_semaphore, #tpu.memory_space<semaphore_mem>>, %arg23: memref<!tpu.dma_semaphore, #tpu.memory_space<semaphore_mem>>, %arg24: memref<!tpu.dma_semaphore, #tpu.memory_space<semaphore_mem>>, %arg25: memref<!tpu.dma_semaphore, #tpu.memory_space<semaphore_mem>>, %arg26: memref<!tpu.dma_semaphore, #tpu.memory_space<semaphore_mem>>, %arg27: memref<!tpu.dma_semaphore, #tpu.memory_space<semaphore_mem>>, %arg28: memref<!tpu.dma_semaphore, #tpu.memory_space<semaphore_mem>>, %arg29: memref<!tpu.dma_semaphore, #tpu.memory_space<semaphore_mem>>, %arg30: memref<!tpu.dma_semaphore, #tpu.memory_space<semaphore_mem>>, %arg31: memref<!tpu.dma_semaphore, #tpu.memory_space<semaphore_mem>>) attributes {dimension_semantics = [#tpu.dimension_semantics<core_parallel>, #tpu.dimension_semantics<subcore_parallel>], iteration_bounds = array<i64: 2, 16>, scalar_prefetch = 0 : i64, scratch_operands = 22 : i64, tpu.core_type = #tpu.core_type<sc_vector_subcore>, window_params = [{transform_indices = #map}, {transform_indices = #map1}, {transform_indices = #map1}, {transform_indices = #map}, {transform_indices = #map}, {transform_indices = #map}, {transform_indices = #map}, {transform_indices = #map}]} {
    %mul3A = arith.constant 2 : i32
    %mul3A_0 = arith.muli %arg1, %mul3A : i32
    %add3A = arith.addi %mul3A_0, %arg0 : i32
    %mul3A_1 = arith.constant 640 : i32
    %mul3A_2 = arith.muli %arg1, %mul3A_1 : i32
    %eq3A = arith.constant 0 : i32
    %eq3A_3 = arith.cmpi eq, %arg0, %eq3A : i32
    %lt3A = arith.constant 15 : i32
    %lt3A_4 = arith.cmpi slt, %arg1, %lt3A : i32
    %and3A = arith.andi %eq3A_3, %lt3A_4 : i1
    %convert_element_type3A = arith.extui %and3A : i1 to i32
    %cond3A = arith.constant 0 : i32
    %cond3A_5 = arith.cmpi ne, %convert_element_type3A, %cond3A : i32
    scf.if %cond3A_5 {
      "tpu.region"() ({
        %run_scoped3A = tpu.sem_alloc : memref<!tpu.dma_semaphore, #tpu.memory_space<semaphore_mem>>
        %dma_start3A_139 = arith.constant 0 : i32
        %dma_start3A_140 = tpu.memref_slice %arg10[%mul3A_2, %dma_start3A_139] : memref<10240x64xbf16, #tpu.memory_space<vmem_shared>> -> memref<640x64xbf16, #tpu.memory_space<vmem_shared>>
        %dma_start3A_141 = arith.constant 0 : i32
        %dma_start3A_142 = tpu.memref_slice %arg2[%mul3A_2, %dma_start3A_141] : memref<10000x64xbf16, #tpu.memory_space<hbm>> -> memref<640x64xbf16, #tpu.memory_space<hbm>>
        tpu.enqueue_dma source(%dma_start3A_142 : memref<640x64xbf16, #tpu.memory_space<hbm>>) target(%dma_start3A_140 : memref<640x64xbf16, #tpu.memory_space<vmem_shared>>) target_semaphore(%run_scoped3A : memref<!tpu.dma_semaphore, #tpu.memory_space<semaphore_mem>>)
        %dma_wait3A_143 = arith.constant 0 : i32
        %dma_wait3A_144 = tpu.memref_slice %arg10[%mul3A_2, %dma_wait3A_143] : memref<10240x64xbf16, #tpu.memory_space<vmem_shared>> -> memref<640x64xbf16, #tpu.memory_space<vmem_shared>>
        %dma_wait3A_145 = arith.constant 0 : i32
        %dma_wait3A_146 = tpu.memref_slice %arg2[%mul3A_2, %dma_wait3A_145] : memref<10000x64xbf16, #tpu.memory_space<hbm>> -> memref<640x64xbf16, #tpu.memory_space<hbm>>
        tpu.wait_dma2 semaphore(%run_scoped3A : memref<!tpu.dma_semaphore, #tpu.memory_space<semaphore_mem>>) src(%dma_wait3A_146 : memref<640x64xbf16, #tpu.memory_space<hbm>>) dst(%dma_wait3A_144 : memref<640x64xbf16, #tpu.memory_space<vmem_shared>>)
        tpu.yield
      }) : () -> ()
    } else {
    }
    %eq3A_6 = arith.constant 0 : i32
    %eq3A_7 = arith.cmpi eq, %arg0, %eq3A_6 : i32
    %eq3A_8 = arith.constant 15 : i32
    %eq3A_9 = arith.cmpi eq, %arg1, %eq3A_8 : i32
    %and3A_10 = arith.andi %eq3A_7, %eq3A_9 : i1
    %convert_element_type3A_11 = arith.extui %and3A_10 : i1 to i32
    %cond3A_12 = arith.constant 0 : i32
    %cond3A_13 = arith.cmpi ne, %convert_element_type3A_11, %cond3A_12 : i32
    scf.if %cond3A_13 {
      "tpu.region"() ({
        %run_scoped3A = tpu.sem_alloc : memref<!tpu.dma_semaphore, #tpu.memory_space<semaphore_mem>>
        %dma_start3A_139 = arith.constant 9600 : i32
        %dma_start3A_140 = arith.constant 0 : i32
        %dma_start3A_141 = tpu.memref_slice %arg10[%dma_start3A_139, %dma_start3A_140] : memref<10240x64xbf16, #tpu.memory_space<vmem_shared>> -> memref<400x64xbf16, #tpu.memory_space<vmem_shared>>
        %dma_start3A_142 = arith.constant 9600 : i32
        %dma_start3A_143 = arith.constant 0 : i32
        %dma_start3A_144 = tpu.memref_slice %arg2[%dma_start3A_142, %dma_start3A_143] : memref<10000x64xbf16, #tpu.memory_space<hbm>> -> memref<400x64xbf16, #tpu.memory_space<hbm>>
        tpu.enqueue_dma source(%dma_start3A_144 : memref<400x64xbf16, #tpu.memory_space<hbm>>) target(%dma_start3A_141 : memref<400x64xbf16, #tpu.memory_space<vmem_shared>>) target_semaphore(%run_scoped3A : memref<!tpu.dma_semaphore, #tpu.memory_space<semaphore_mem>>)
        %dma_wait3A_145 = arith.constant 9600 : i32
        %dma_wait3A_146 = arith.constant 0 : i32
        %dma_wait3A_147 = tpu.memref_slice %arg10[%dma_wait3A_145, %dma_wait3A_146] : memref<10240x64xbf16, #tpu.memory_space<vmem_shared>> -> memref<400x64xbf16, #tpu.memory_space<vmem_shared>>
        %dma_wait3A_148 = arith.constant 9600 : i32
        %dma_wait3A_149 = arith.constant 0 : i32
        %dma_wait3A_150 = tpu.memref_slice %arg2[%dma_wait3A_148, %dma_wait3A_149] : memref<10000x64xbf16, #tpu.memory_space<hbm>> -> memref<400x64xbf16, #tpu.memory_space<hbm>>
        tpu.wait_dma2 semaphore(%run_scoped3A : memref<!tpu.dma_semaphore, #tpu.memory_space<semaphore_mem>>) src(%dma_wait3A_150 : memref<400x64xbf16, #tpu.memory_space<hbm>>) dst(%dma_wait3A_147 : memref<400x64xbf16, #tpu.memory_space<vmem_shared>>)
        tpu.yield
      }) : () -> ()
    } else {
    }
    %eq3A_14 = arith.constant 1 : i32
    %eq3A_15 = arith.cmpi eq, %arg0, %eq3A_14 : i32
    %lt3A_16 = arith.constant 15 : i32
    %lt3A_17 = arith.cmpi slt, %arg1, %lt3A_16 : i32
    %and3A_18 = arith.andi %eq3A_15, %lt3A_17 : i1
    %convert_element_type3A_19 = arith.extui %and3A_18 : i1 to i32
    %cond3A_20 = arith.constant 0 : i32
    %cond3A_21 = arith.cmpi ne, %convert_element_type3A_19, %cond3A_20 : i32
    scf.if %cond3A_21 {
      "tpu.region"() ({
        %run_scoped3A = tpu.sem_alloc : memref<!tpu.dma_semaphore, #tpu.memory_space<semaphore_mem>>
        %dma_start3A_139 = arith.constant 0 : i32
        %dma_start3A_140 = tpu.memref_slice %arg10[%mul3A_2, %dma_start3A_139] : memref<10240x64xbf16, #tpu.memory_space<vmem_shared>> -> memref<640x64xbf16, #tpu.memory_space<vmem_shared>>
        tpu.enqueue_dma source(%arg5 : memref<640x64xbf16, #tpu.memory_space<hbm>>) target(%dma_start3A_140 : memref<640x64xbf16, #tpu.memory_space<vmem_shared>>) target_semaphore(%run_scoped3A : memref<!tpu.dma_semaphore, #tpu.memory_space<semaphore_mem>>)
        %dma_wait3A_141 = arith.constant 0 : i32
        %dma_wait3A_142 = tpu.memref_slice %arg10[%mul3A_2, %dma_wait3A_141] : memref<10240x64xbf16, #tpu.memory_space<vmem_shared>> -> memref<640x64xbf16, #tpu.memory_space<vmem_shared>>
        tpu.wait_dma2 semaphore(%run_scoped3A : memref<!tpu.dma_semaphore, #tpu.memory_space<semaphore_mem>>) src(%arg5 : memref<640x64xbf16, #tpu.memory_space<hbm>>) dst(%dma_wait3A_142 : memref<640x64xbf16, #tpu.memory_space<vmem_shared>>)
        tpu.yield
      }) : () -> ()
    } else {
    }
    %eq3A_22 = arith.constant 1 : i32
    %eq3A_23 = arith.cmpi eq, %arg0, %eq3A_22 : i32
    %eq3A_24 = arith.constant 15 : i32
    %eq3A_25 = arith.cmpi eq, %arg1, %eq3A_24 : i32
    %and3A_26 = arith.andi %eq3A_23, %eq3A_25 : i1
    %convert_element_type3A_27 = arith.extui %and3A_26 : i1 to i32
    %cond3A_28 = arith.constant 0 : i32
    %cond3A_29 = arith.cmpi ne, %convert_element_type3A_27, %cond3A_28 : i32
    scf.if %cond3A_29 {
      "tpu.region"() ({
        %run_scoped3A = tpu.sem_alloc : memref<!tpu.dma_semaphore, #tpu.memory_space<semaphore_mem>>
        %dma_start3A_139 = arith.constant 9600 : i32
        %dma_start3A_140 = arith.constant 0 : i32
        %dma_start3A_141 = tpu.memref_slice %arg10[%dma_start3A_139, %dma_start3A_140] : memref<10240x64xbf16, #tpu.memory_space<vmem_shared>> -> memref<400x64xbf16, #tpu.memory_space<vmem_shared>>
        %dma_start3A_142 = arith.constant 0 : i32
        %dma_start3A_143 = arith.constant 0 : i32
        %dma_start3A_144 = tpu.memref_slice %arg5[%dma_start3A_142, %dma_start3A_143] : memref<640x64xbf16, #tpu.memory_space<hbm>> -> memref<400x64xbf16, #tpu.memory_space<hbm>>
        tpu.enqueue_dma source(%dma_start3A_144 : memref<400x64xbf16, #tpu.memory_space<hbm>>) target(%dma_start3A_141 : memref<400x64xbf16, #tpu.memory_space<vmem_shared>>) target_semaphore(%run_scoped3A : memref<!tpu.dma_semaphore, #tpu.memory_space<semaphore_mem>>)
        %dma_wait3A_145 = arith.constant 9600 : i32
        %dma_wait3A_146 = arith.constant 0 : i32
        %dma_wait3A_147 = tpu.memref_slice %arg10[%dma_wait3A_145, %dma_wait3A_146] : memref<10240x64xbf16, #tpu.memory_space<vmem_shared>> -> memref<400x64xbf16, #tpu.memory_space<vmem_shared>>
        %dma_wait3A_148 = arith.constant 0 : i32
        %dma_wait3A_149 = arith.constant 0 : i32
        %dma_wait3A_150 = tpu.memref_slice %arg5[%dma_wait3A_148, %dma_wait3A_149] : memref<640x64xbf16, #tpu.memory_space<hbm>> -> memref<400x64xbf16, #tpu.memory_space<hbm>>
        tpu.wait_dma2 semaphore(%run_scoped3A : memref<!tpu.dma_semaphore, #tpu.memory_space<semaphore_mem>>) src(%dma_wait3A_150 : memref<400x64xbf16, #tpu.memory_space<hbm>>) dst(%dma_wait3A_147 : memref<400x64xbf16, #tpu.memory_space<vmem_shared>>)
        tpu.yield
      }) : () -> ()
    } else {
    }
    %lt3A_30 = arith.constant 15 : i32
    %lt3A_31 = arith.cmpi slt, %arg1, %lt3A_30 : i32
    %convert_element_type3A_32 = arith.extui %lt3A_31 : i1 to i32
    %cond3A_33 = arith.constant 0 : i32
    %cond3A_34 = arith.cmpi ne, %convert_element_type3A_32, %cond3A_33 : i32
    scf.if %cond3A_34 {
      "tpu.region"() ({
        %run_scoped3A = tpu.sem_alloc : memref<!tpu.dma_semaphore, #tpu.memory_space<semaphore_mem>>
        %dma_start3A_139 = arith.constant 0 : i32
        %dma_start3A_140 = tpu.memref_slice %arg11[%mul3A_2, %dma_start3A_139] : memref<10240x64xbf16, #tpu.memory_space<vmem_shared>> -> memref<640x64xbf16, #tpu.memory_space<vmem_shared>>
        tpu.enqueue_dma source(%arg5 : memref<640x64xbf16, #tpu.memory_space<hbm>>) target(%dma_start3A_140 : memref<640x64xbf16, #tpu.memory_space<vmem_shared>>) target_semaphore(%run_scoped3A : memref<!tpu.dma_semaphore, #tpu.memory_space<semaphore_mem>>)
        %dma_wait3A_141 = arith.constant 0 : i32
        %dma_wait3A_142 = tpu.memref_slice %arg11[%mul3A_2, %dma_wait3A_141] : memref<10240x64xbf16, #tpu.memory_space<vmem_shared>> -> memref<640x64xbf16, #tpu.memory_space<vmem_shared>>
        tpu.wait_dma2 semaphore(%run_scoped3A : memref<!tpu.dma_semaphore, #tpu.memory_space<semaphore_mem>>) src(%arg5 : memref<640x64xbf16, #tpu.memory_space<hbm>>) dst(%dma_wait3A_142 : memref<640x64xbf16, #tpu.memory_space<vmem_shared>>)
        tpu.yield
      }) : () -> ()
    } else {
    }
    %eq3A_35 = arith.constant 15 : i32
    %eq3A_36 = arith.cmpi eq, %arg1, %eq3A_35 : i32
    %convert_element_type3A_37 = arith.extui %eq3A_36 : i1 to i32
    %cond3A_38 = arith.constant 0 : i32
    %cond3A_39 = arith.cmpi ne, %convert_element_type3A_37, %cond3A_38 : i32
    scf.if %cond3A_39 {
      "tpu.region"() ({
        %run_scoped3A = tpu.sem_alloc : memref<!tpu.dma_semaphore, #tpu.memory_space<semaphore_mem>>
        %dma_start3A_139 = arith.constant 9600 : i32
        %dma_start3A_140 = arith.constant 0 : i32
        %dma_start3A_141 = tpu.memref_slice %arg11[%dma_start3A_139, %dma_start3A_140] : memref<10240x64xbf16, #tpu.memory_space<vmem_shared>> -> memref<400x64xbf16, #tpu.memory_space<vmem_shared>>
        %dma_start3A_142 = arith.constant 0 : i32
        %dma_start3A_143 = arith.constant 0 : i32
        %dma_start3A_144 = tpu.memref_slice %arg5[%dma_start3A_142, %dma_start3A_143] : memref<640x64xbf16, #tpu.memory_space<hbm>> -> memref<400x64xbf16, #tpu.memory_space<hbm>>
        tpu.enqueue_dma source(%dma_start3A_144 : memref<400x64xbf16, #tpu.memory_space<hbm>>) target(%dma_start3A_141 : memref<400x64xbf16, #tpu.memory_space<vmem_shared>>) target_semaphore(%run_scoped3A : memref<!tpu.dma_semaphore, #tpu.memory_space<semaphore_mem>>)
        %dma_wait3A_145 = arith.constant 9600 : i32
        %dma_wait3A_146 = arith.constant 0 : i32
        %dma_wait3A_147 = tpu.memref_slice %arg11[%dma_wait3A_145, %dma_wait3A_146] : memref<10240x64xbf16, #tpu.memory_space<vmem_shared>> -> memref<400x64xbf16, #tpu.memory_space<vmem_shared>>
        %dma_wait3A_148 = arith.constant 0 : i32
        %dma_wait3A_149 = arith.constant 0 : i32
        %dma_wait3A_150 = tpu.memref_slice %arg5[%dma_wait3A_148, %dma_wait3A_149] : memref<640x64xbf16, #tpu.memory_space<hbm>> -> memref<400x64xbf16, #tpu.memory_space<hbm>>
        tpu.wait_dma2 semaphore(%run_scoped3A : memref<!tpu.dma_semaphore, #tpu.memory_space<semaphore_mem>>) src(%dma_wait3A_150 : memref<400x64xbf16, #tpu.memory_space<hbm>>) dst(%dma_wait3A_147 : memref<400x64xbf16, #tpu.memory_space<vmem_shared>>)
        tpu.yield
      }) : () -> ()
    } else {
    }
    %mul3A_40 = arith.constant 10000 : i32
    %mul3A_41 = arith.muli %add3A, %mul3A_40 : i32
    "tpu.region"() ({
      %run_scoped3A = tpu.sem_alloc : memref<!tpu.dma_semaphore, #tpu.memory_space<semaphore_mem>>
      %dma_start3A_139 = tpu.memref_slice %arg3[%mul3A_41] : memref<320000xi32, #tpu.memory_space<hbm>> -> memref<10000xi32, #tpu.memory_space<hbm>>
      %dma_start3A_140 = tpu.memref_slice %arg3[%mul3A_41] : memref<320000xi32, #tpu.memory_space<hbm>> -> memref<10000xi32, #tpu.memory_space<hbm>>
      tpu.enqueue_dma source(%dma_start3A_140 : memref<10000xi32, #tpu.memory_space<hbm>>) target(%arg12 : memref<10000xi32, #tpu.memory_space<vmem>>) target_semaphore(%run_scoped3A : memref<!tpu.dma_semaphore, #tpu.memory_space<semaphore_mem>>)
      %dma_wait3A_141 = tpu.memref_slice %arg3[%mul3A_41] : memref<320000xi32, #tpu.memory_space<hbm>> -> memref<10000xi32, #tpu.memory_space<hbm>>
      %dma_wait3A_142 = tpu.memref_slice %arg3[%mul3A_41] : memref<320000xi32, #tpu.memory_space<hbm>> -> memref<10000xi32, #tpu.memory_space<hbm>>
      tpu.wait_dma2 semaphore(%run_scoped3A : memref<!tpu.dma_semaphore, #tpu.memory_space<semaphore_mem>>) src(%dma_wait3A_142 : memref<10000xi32, #tpu.memory_space<hbm>>) dst(%arg12 : memref<10000xi32, #tpu.memory_space<vmem>>)
      tpu.yield
    }) : () -> ()
    %mul3A_42 = arith.constant 10000 : i32
    %mul3A_43 = arith.muli %add3A, %mul3A_42 : i32
    "tpu.region"() ({
      %run_scoped3A = tpu.sem_alloc : memref<!tpu.dma_semaphore, #tpu.memory_space<semaphore_mem>>
      %dma_start3A_139 = tpu.memref_slice %arg4[%mul3A_43] : memref<320000xi32, #tpu.memory_space<hbm>> -> memref<10000xi32, #tpu.memory_space<hbm>>
      %dma_start3A_140 = tpu.memref_slice %arg4[%mul3A_43] : memref<320000xi32, #tpu.memory_space<hbm>> -> memref<10000xi32, #tpu.memory_space<hbm>>
      tpu.enqueue_dma source(%dma_start3A_140 : memref<10000xi32, #tpu.memory_space<hbm>>) target(%arg13 : memref<10000xi32, #tpu.memory_space<vmem>>) target_semaphore(%run_scoped3A : memref<!tpu.dma_semaphore, #tpu.memory_space<semaphore_mem>>)
      %dma_wait3A_141 = tpu.memref_slice %arg4[%mul3A_43] : memref<320000xi32, #tpu.memory_space<hbm>> -> memref<10000xi32, #tpu.memory_space<hbm>>
      %dma_wait3A_142 = tpu.memref_slice %arg4[%mul3A_43] : memref<320000xi32, #tpu.memory_space<hbm>> -> memref<10000xi32, #tpu.memory_space<hbm>>
      tpu.wait_dma2 semaphore(%run_scoped3A : memref<!tpu.dma_semaphore, #tpu.memory_space<semaphore_mem>>) src(%dma_wait3A_142 : memref<10000xi32, #tpu.memory_space<hbm>>) dst(%arg13 : memref<10000xi32, #tpu.memory_space<vmem>>)
      tpu.yield
    }) : () -> ()
    %barrier3A = arith.constant 0 : index
    tpu.barrier barrier_id(%barrier3A)
    %dma_start3A = arith.constant 0 : i32
    %dma_start3A_44 = tpu.memref_slice %arg12[%dma_start3A] : memref<10000xi32, #tpu.memory_space<vmem>> -> memref<200xi32, #tpu.memory_space<vmem>>
    %dma_start3A_45 = arith.constant 0 : i32
    %dma_start3A_46 = arith.constant 0 : i32
    %dma_start3A_47 = tpu.memref_slice %arg2[%dma_start3A_45, %dma_start3A_46] : memref<10000x64xbf16, #tpu.memory_space<hbm>> -> memref<10000x64xbf16, #tpu.memory_space<hbm>>
    tpu.enqueue_indirect_dma source(%dma_start3A_47 : memref<10000x64xbf16, #tpu.memory_space<hbm>>) target(%arg14 : memref<200x64xbf16, #tpu.memory_space<vmem>>) offsets(%dma_start3A_44 : memref<200xi32, #tpu.memory_space<vmem>>) semaphore(%arg20 : memref<!tpu.dma_semaphore, #tpu.memory_space<semaphore_mem>>)
    %dma_start3A_48 = arith.constant 200 : i32
    %dma_start3A_49 = tpu.memref_slice %arg12[%dma_start3A_48] : memref<10000xi32, #tpu.memory_space<vmem>> -> memref<200xi32, #tpu.memory_space<vmem>>
    %dma_start3A_50 = arith.constant 0 : i32
    %dma_start3A_51 = arith.constant 0 : i32
    %dma_start3A_52 = tpu.memref_slice %arg2[%dma_start3A_50, %dma_start3A_51] : memref<10000x64xbf16, #tpu.memory_space<hbm>> -> memref<10000x64xbf16, #tpu.memory_space<hbm>>
    tpu.enqueue_indirect_dma source(%dma_start3A_52 : memref<10000x64xbf16, #tpu.memory_space<hbm>>) target(%arg15 : memref<200x64xbf16, #tpu.memory_space<vmem>>) offsets(%dma_start3A_49 : memref<200xi32, #tpu.memory_space<vmem>>) semaphore(%arg21 : memref<!tpu.dma_semaphore, #tpu.memory_space<semaphore_mem>>)
    %dma_start3A_53 = arith.constant 400 : i32
    %dma_start3A_54 = tpu.memref_slice %arg12[%dma_start3A_53] : memref<10000xi32, #tpu.memory_space<vmem>> -> memref<200xi32, #tpu.memory_space<vmem>>
    %dma_start3A_55 = arith.constant 0 : i32
    %dma_start3A_56 = arith.constant 0 : i32
    %dma_start3A_57 = tpu.memref_slice %arg2[%dma_start3A_55, %dma_start3A_56] : memref<10000x64xbf16, #tpu.memory_space<hbm>> -> memref<10000x64xbf16, #tpu.memory_space<hbm>>
    tpu.enqueue_indirect_dma source(%dma_start3A_57 : memref<10000x64xbf16, #tpu.memory_space<hbm>>) target(%arg16 : memref<200x64xbf16, #tpu.memory_space<vmem>>) offsets(%dma_start3A_54 : memref<200xi32, #tpu.memory_space<vmem>>) semaphore(%arg22 : memref<!tpu.dma_semaphore, #tpu.memory_space<semaphore_mem>>)
    %dma_start3A_58 = arith.constant 600 : i32
    %dma_start3A_59 = tpu.memref_slice %arg12[%dma_start3A_58] : memref<10000xi32, #tpu.memory_space<vmem>> -> memref<200xi32, #tpu.memory_space<vmem>>
    %dma_start3A_60 = arith.constant 0 : i32
    %dma_start3A_61 = arith.constant 0 : i32
    %dma_start3A_62 = tpu.memref_slice %arg2[%dma_start3A_60, %dma_start3A_61] : memref<10000x64xbf16, #tpu.memory_space<hbm>> -> memref<10000x64xbf16, #tpu.memory_space<hbm>>
    tpu.enqueue_indirect_dma source(%dma_start3A_62 : memref<10000x64xbf16, #tpu.memory_space<hbm>>) target(%arg17 : memref<200x64xbf16, #tpu.memory_space<vmem>>) offsets(%dma_start3A_59 : memref<200xi32, #tpu.memory_space<vmem>>) semaphore(%arg23 : memref<!tpu.dma_semaphore, #tpu.memory_space<semaphore_mem>>)
    %dma_start3A_63 = arith.constant 800 : i32
    %dma_start3A_64 = tpu.memref_slice %arg12[%dma_start3A_63] : memref<10000xi32, #tpu.memory_space<vmem>> -> memref<200xi32, #tpu.memory_space<vmem>>
    %dma_start3A_65 = arith.constant 0 : i32
    %dma_start3A_66 = arith.constant 0 : i32
    %dma_start3A_67 = tpu.memref_slice %arg2[%dma_start3A_65, %dma_start3A_66] : memref<10000x64xbf16, #tpu.memory_space<hbm>> -> memref<10000x64xbf16, #tpu.memory_space<hbm>>
    tpu.enqueue_indirect_dma source(%dma_start3A_67 : memref<10000x64xbf16, #tpu.memory_space<hbm>>) target(%arg18 : memref<200x64xbf16, #tpu.memory_space<vmem>>) offsets(%dma_start3A_64 : memref<200xi32, #tpu.memory_space<vmem>>) semaphore(%arg24 : memref<!tpu.dma_semaphore, #tpu.memory_space<semaphore_mem>>)
    %dma_start3A_68 = arith.constant 1000 : i32
    %dma_start3A_69 = tpu.memref_slice %arg12[%dma_start3A_68] : memref<10000xi32, #tpu.memory_space<vmem>> -> memref<200xi32, #tpu.memory_space<vmem>>
    %dma_start3A_70 = arith.constant 0 : i32
    %dma_start3A_71 = arith.constant 0 : i32
    %dma_start3A_72 = tpu.memref_slice %arg2[%dma_start3A_70, %dma_start3A_71] : memref<10000x64xbf16, #tpu.memory_space<hbm>> -> memref<10000x64xbf16, #tpu.memory_space<hbm>>
    tpu.enqueue_indirect_dma source(%dma_start3A_72 : memref<10000x64xbf16, #tpu.memory_space<hbm>>) target(%arg19 : memref<200x64xbf16, #tpu.memory_space<vmem>>) offsets(%dma_start3A_69 : memref<200xi32, #tpu.memory_space<vmem>>) semaphore(%arg25 : memref<!tpu.dma_semaphore, #tpu.memory_space<semaphore_mem>>)
    %scan3A = arith.constant 0 : i32
    %scan3A_73 = arith.constant 0 : i32
    %scan3A_74 = arith.constant 8 : i32
    %scan3A_75 = arith.addi %scan3A_73, %scan3A_74 : i32
    %scan3A_76 = arith.constant 1 : i32
    %scan3A_77 = scf.for %scan3A_139 = %scan3A_73 to %scan3A_75 step %scan3A_76 iter_args(%scan3A_140 = %scan3A) -> (i32)  : i32 {
      %mul3A_141 = arith.constant 6 : i32
      %mul3A_142 = arith.muli %scan3A_139, %mul3A_141 : i32
      %add3A_143 = arith.constant 0 : i32
      %add3A_144 = arith.addi %mul3A_142, %add3A_143 : i32
      %mul3A_145 = arith.constant 200 : i32
      %mul3A_146 = arith.muli %add3A_144, %mul3A_145 : i32
      %dma_wait3A_147 = tpu.memref_slice %arg12[%mul3A_146] : memref<10000xi32, #tpu.memory_space<vmem>> -> memref<200xi32, #tpu.memory_space<vmem>>
      %dma_wait3A_148 = arith.constant 0 : i32
      %dma_wait3A_149 = arith.constant 0 : i32
      %dma_wait3A_150 = tpu.memref_slice %arg2[%dma_wait3A_148, %dma_wait3A_149] : memref<10000x64xbf16, #tpu.memory_space<hbm>> -> memref<10000x64xbf16, #tpu.memory_space<hbm>>
      tpu.wait_indirect_dma semaphore(%arg20 : memref<!tpu.dma_semaphore, #tpu.memory_space<semaphore_mem>>) src(%dma_wait3A_150 : memref<10000x64xbf16, #tpu.memory_space<hbm>>) dst(%arg14 : memref<200x64xbf16, #tpu.memory_space<vmem>>)
      %mul3A_151 = arith.constant 200 : i32
      %mul3A_152 = arith.muli %add3A_144, %mul3A_151 : i32
      %dma_start3A_153 = tpu.memref_slice %arg13[%mul3A_152] : memref<10000xi32, #tpu.memory_space<vmem>> -> memref<200xi32, #tpu.memory_space<vmem>>
      %dma_start3A_154 = arith.constant 0 : i32
      %dma_start3A_155 = arith.constant 0 : i32
      %dma_start3A_156 = tpu.memref_slice %arg10[%dma_start3A_154, %dma_start3A_155] : memref<10240x64xbf16, #tpu.memory_space<vmem_shared>> -> memref<10240x64xbf16, #tpu.memory_space<vmem_shared>>
      tpu.enqueue_indirect_dma source(%arg14 : memref<200x64xbf16, #tpu.memory_space<vmem>>) target(%dma_start3A_156 : memref<10240x64xbf16, #tpu.memory_space<vmem_shared>>) offsets(%dma_start3A_153 : memref<200xi32, #tpu.memory_space<vmem>>) semaphore(%arg26 : memref<!tpu.dma_semaphore, #tpu.memory_space<semaphore_mem>>) {add = true}
      %ge3A = arith.constant 3 : i32
      %ge3A_157 = arith.cmpi sge, %add3A_144, %ge3A : i32
      %le3A = arith.constant 46 : i32
      %le3A_158 = arith.cmpi sle, %add3A_144, %le3A : i32
      %and3A_159 = arith.andi %ge3A_157, %le3A_158 : i1
      %convert_element_type3A_160 = arith.extui %and3A_159 : i1 to i32
      %cond3A_161 = arith.constant 0 : i32
      %cond3A_162 = arith.cmpi ne, %convert_element_type3A_160, %cond3A_161 : i32
      scf.if %cond3A_162 {
        %sub3A = arith.constant 3 : i32
        %sub3A_284 = arith.subi %add3A_144, %sub3A : i32
        %mul3A_285 = arith.constant 200 : i32
        %mul3A_286 = arith.muli %sub3A_284, %mul3A_285 : i32
        %dma_wait3A_287 = tpu.memref_slice %arg13[%mul3A_286] : memref<10000xi32, #tpu.memory_space<vmem>> -> memref<200xi32, #tpu.memory_space<vmem>>
        %dma_wait3A_288 = arith.constant 0 : i32
        %dma_wait3A_289 = arith.constant 0 : i32
        %dma_wait3A_290 = tpu.memref_slice %arg11[%dma_wait3A_288, %dma_wait3A_289] : memref<10240x64xbf16, #tpu.memory_space<vmem_shared>> -> memref<10240x64xbf16, #tpu.memory_space<vmem_shared>>
        tpu.wait_indirect_dma semaphore(%arg29 : memref<!tpu.dma_semaphore, #tpu.memory_space<semaphore_mem>>) src(%arg17 : memref<200x64xbf16, #tpu.memory_space<vmem>>) dst(%dma_wait3A_290 : memref<10240x64xbf16, #tpu.memory_space<vmem_shared>>)
        %add3A_291 = arith.constant 3 : i32
        %add3A_292 = arith.addi %add3A_144, %add3A_291 : i32
        %mul3A_293 = arith.constant 200 : i32
        %mul3A_294 = arith.muli %add3A_292, %mul3A_293 : i32
        %dma_start3A_295 = tpu.memref_slice %arg12[%mul3A_294] : memref<10000xi32, #tpu.memory_space<vmem>> -> memref<200xi32, #tpu.memory_space<vmem>>
        %dma_start3A_296 = arith.constant 0 : i32
        %dma_start3A_297 = arith.constant 0 : i32
        %dma_start3A_298 = tpu.memref_slice %arg2[%dma_start3A_296, %dma_start3A_297] : memref<10000x64xbf16, #tpu.memory_space<hbm>> -> memref<10000x64xbf16, #tpu.memory_space<hbm>>
        tpu.enqueue_indirect_dma source(%dma_start3A_298 : memref<10000x64xbf16, #tpu.memory_space<hbm>>) target(%arg17 : memref<200x64xbf16, #tpu.memory_space<vmem>>) offsets(%dma_start3A_295 : memref<200xi32, #tpu.memory_space<vmem>>) semaphore(%arg23 : memref<!tpu.dma_semaphore, #tpu.memory_space<semaphore_mem>>)
      } else {
      }
      %mul3A_163 = arith.constant 6 : i32
      %mul3A_164 = arith.muli %scan3A_139, %mul3A_163 : i32
      %add3A_165 = arith.constant 1 : i32
      %add3A_166 = arith.addi %mul3A_164, %add3A_165 : i32
      %mul3A_167 = arith.constant 200 : i32
      %mul3A_168 = arith.muli %add3A_166, %mul3A_167 : i32
      %dma_wait3A_169 = tpu.memref_slice %arg12[%mul3A_168] : memref<10000xi32, #tpu.memory_space<vmem>> -> memref<200xi32, #tpu.memory_space<vmem>>
      %dma_wait3A_170 = arith.constant 0 : i32
      %dma_wait3A_171 = arith.constant 0 : i32
      %dma_wait3A_172 = tpu.memref_slice %arg2[%dma_wait3A_170, %dma_wait3A_171] : memref<10000x64xbf16, #tpu.memory_space<hbm>> -> memref<10000x64xbf16, #tpu.memory_space<hbm>>
      tpu.wait_indirect_dma semaphore(%arg21 : memref<!tpu.dma_semaphore, #tpu.memory_space<semaphore_mem>>) src(%dma_wait3A_172 : memref<10000x64xbf16, #tpu.memory_space<hbm>>) dst(%arg15 : memref<200x64xbf16, #tpu.memory_space<vmem>>)
      %mul3A_173 = arith.constant 200 : i32
      %mul3A_174 = arith.muli %add3A_166, %mul3A_173 : i32
      %dma_start3A_175 = tpu.memref_slice %arg13[%mul3A_174] : memref<10000xi32, #tpu.memory_space<vmem>> -> memref<200xi32, #tpu.memory_space<vmem>>
      %dma_start3A_176 = arith.constant 0 : i32
      %dma_start3A_177 = arith.constant 0 : i32
      %dma_start3A_178 = tpu.memref_slice %arg11[%dma_start3A_176, %dma_start3A_177] : memref<10240x64xbf16, #tpu.memory_space<vmem_shared>> -> memref<10240x64xbf16, #tpu.memory_space<vmem_shared>>
      tpu.enqueue_indirect_dma source(%arg15 : memref<200x64xbf16, #tpu.memory_space<vmem>>) target(%dma_start3A_178 : memref<10240x64xbf16, #tpu.memory_space<vmem_shared>>) offsets(%dma_start3A_175 : memref<200xi32, #tpu.memory_space<vmem>>) semaphore(%arg27 : memref<!tpu.dma_semaphore, #tpu.memory_space<semaphore_mem>>) {add = true}
      %ge3A_179 = arith.constant 3 : i32
      %ge3A_180 = arith.cmpi sge, %add3A_166, %ge3A_179 : i32
      %le3A_181 = arith.constant 46 : i32
      %le3A_182 = arith.cmpi sle, %add3A_166, %le3A_181 : i32
      %and3A_183 = arith.andi %ge3A_180, %le3A_182 : i1
      %convert_element_type3A_184 = arith.extui %and3A_183 : i1 to i32
      %cond3A_185 = arith.constant 0 : i32
      %cond3A_186 = arith.cmpi ne, %convert_element_type3A_184, %cond3A_185 : i32
      scf.if %cond3A_186 {
        %sub3A = arith.constant 3 : i32
        %sub3A_284 = arith.subi %add3A_166, %sub3A : i32
        %mul3A_285 = arith.constant 200 : i32
        %mul3A_286 = arith.muli %sub3A_284, %mul3A_285 : i32
        %dma_wait3A_287 = tpu.memref_slice %arg13[%mul3A_286] : memref<10000xi32, #tpu.memory_space<vmem>> -> memref<200xi32, #tpu.memory_space<vmem>>
        %dma_wait3A_288 = arith.constant 0 : i32
        %dma_wait3A_289 = arith.constant 0 : i32
        %dma_wait3A_290 = tpu.memref_slice %arg10[%dma_wait3A_288, %dma_wait3A_289] : memref<10240x64xbf16, #tpu.memory_space<vmem_shared>> -> memref<10240x64xbf16, #tpu.memory_space<vmem_shared>>
        tpu.wait_indirect_dma semaphore(%arg30 : memref<!tpu.dma_semaphore, #tpu.memory_space<semaphore_mem>>) src(%arg18 : memref<200x64xbf16, #tpu.memory_space<vmem>>) dst(%dma_wait3A_290 : memref<10240x64xbf16, #tpu.memory_space<vmem_shared>>)
        %add3A_291 = arith.constant 3 : i32
        %add3A_292 = arith.addi %add3A_166, %add3A_291 : i32
        %mul3A_293 = arith.constant 200 : i32
        %mul3A_294 = arith.muli %add3A_292, %mul3A_293 : i32
        %dma_start3A_295 = tpu.memref_slice %arg12[%mul3A_294] : memref<10000xi32, #tpu.memory_space<vmem>> -> memref<200xi32, #tpu.memory_space<vmem>>
        %dma_start3A_296 = arith.constant 0 : i32
        %dma_start3A_297 = arith.constant 0 : i32
        %dma_start3A_298 = tpu.memref_slice %arg2[%dma_start3A_296, %dma_start3A_297] : memref<10000x64xbf16, #tpu.memory_space<hbm>> -> memref<10000x64xbf16, #tpu.memory_space<hbm>>
        tpu.enqueue_indirect_dma source(%dma_start3A_298 : memref<10000x64xbf16, #tpu.memory_space<hbm>>) target(%arg18 : memref<200x64xbf16, #tpu.memory_space<vmem>>) offsets(%dma_start3A_295 : memref<200xi32, #tpu.memory_space<vmem>>) semaphore(%arg24 : memref<!tpu.dma_semaphore, #tpu.memory_space<semaphore_mem>>)
      } else {
      }
      %mul3A_187 = arith.constant 6 : i32
      %mul3A_188 = arith.muli %scan3A_139, %mul3A_187 : i32
      %add3A_189 = arith.constant 2 : i32
      %add3A_190 = arith.addi %mul3A_188, %add3A_189 : i32
      %mul3A_191 = arith.constant 200 : i32
      %mul3A_192 = arith.muli %add3A_190, %mul3A_191 : i32
      %dma_wait3A_193 = tpu.memref_slice %arg12[%mul3A_192] : memref<10000xi32, #tpu.memory_space<vmem>> -> memref<200xi32, #tpu.memory_space<vmem>>
      %dma_wait3A_194 = arith.constant 0 : i32
      %dma_wait3A_195 = arith.constant 0 : i32
      %dma_wait3A_196 = tpu.memref_slice %arg2[%dma_wait3A_194, %dma_wait3A_195] : memref<10000x64xbf16, #tpu.memory_space<hbm>> -> memref<10000x64xbf16, #tpu.memory_space<hbm>>
      tpu.wait_indirect_dma semaphore(%arg22 : memref<!tpu.dma_semaphore, #tpu.memory_space<semaphore_mem>>) src(%dma_wait3A_196 : memref<10000x64xbf16, #tpu.memory_space<hbm>>) dst(%arg16 : memref<200x64xbf16, #tpu.memory_space<vmem>>)
      %mul3A_197 = arith.constant 200 : i32
      %mul3A_198 = arith.muli %add3A_190, %mul3A_197 : i32
      %dma_start3A_199 = tpu.memref_slice %arg13[%mul3A_198] : memref<10000xi32, #tpu.memory_space<vmem>> -> memref<200xi32, #tpu.memory_space<vmem>>
      %dma_start3A_200 = arith.constant 0 : i32
      %dma_start3A_201 = arith.constant 0 : i32
      %dma_start3A_202 = tpu.memref_slice %arg10[%dma_start3A_200, %dma_start3A_201] : memref<10240x64xbf16, #tpu.memory_space<vmem_shared>> -> memref<10240x64xbf16, #tpu.memory_space<vmem_shared>>
      tpu.enqueue_indirect_dma source(%arg16 : memref<200x64xbf16, #tpu.memory_space<vmem>>) target(%dma_start3A_202 : memref<10240x64xbf16, #tpu.memory_space<vmem_shared>>) offsets(%dma_start3A_199 : memref<200xi32, #tpu.memory_space<vmem>>) semaphore(%arg28 : memref<!tpu.dma_semaphore, #tpu.memory_space<semaphore_mem>>) {add = true}
      %ge3A_203 = arith.constant 3 : i32
      %ge3A_204 = arith.cmpi sge, %add3A_190, %ge3A_203 : i32
      %le3A_205 = arith.constant 46 : i32
      %le3A_206 = arith.cmpi sle, %add3A_190, %le3A_205 : i32
      %and3A_207 = arith.andi %ge3A_204, %le3A_206 : i1
      %convert_element_type3A_208 = arith.extui %and3A_207 : i1 to i32
      %cond3A_209 = arith.constant 0 : i32
      %cond3A_210 = arith.cmpi ne, %convert_element_type3A_208, %cond3A_209 : i32
      scf.if %cond3A_210 {
        %sub3A = arith.constant 3 : i32
        %sub3A_284 = arith.subi %add3A_190, %sub3A : i32
        %mul3A_285 = arith.constant 200 : i32
        %mul3A_286 = arith.muli %sub3A_284, %mul3A_285 : i32
        %dma_wait3A_287 = tpu.memref_slice %arg13[%mul3A_286] : memref<10000xi32, #tpu.memory_space<vmem>> -> memref<200xi32, #tpu.memory_space<vmem>>
        %dma_wait3A_288 = arith.constant 0 : i32
        %dma_wait3A_289 = arith.constant 0 : i32
        %dma_wait3A_290 = tpu.memref_slice %arg11[%dma_wait3A_288, %dma_wait3A_289] : memref<10240x64xbf16, #tpu.memory_space<vmem_shared>> -> memref<10240x64xbf16, #tpu.memory_space<vmem_shared>>
        tpu.wait_indirect_dma semaphore(%arg31 : memref<!tpu.dma_semaphore, #tpu.memory_space<semaphore_mem>>) src(%arg19 : memref<200x64xbf16, #tpu.memory_space<vmem>>) dst(%dma_wait3A_290 : memref<10240x64xbf16, #tpu.memory_space<vmem_shared>>)
        %add3A_291 = arith.constant 3 : i32
        %add3A_292 = arith.addi %add3A_190, %add3A_291 : i32
        %mul3A_293 = arith.constant 200 : i32
        %mul3A_294 = arith.muli %add3A_292, %mul3A_293 : i32
        %dma_start3A_295 = tpu.memref_slice %arg12[%mul3A_294] : memref<10000xi32, #tpu.memory_space<vmem>> -> memref<200xi32, #tpu.memory_space<vmem>>
        %dma_start3A_296 = arith.constant 0 : i32
        %dma_start3A_297 = arith.constant 0 : i32
        %dma_start3A_298 = tpu.memref_slice %arg2[%dma_start3A_296, %dma_start3A_297] : memref<10000x64xbf16, #tpu.memory_space<hbm>> -> memref<10000x64xbf16, #tpu.memory_space<hbm>>
        tpu.enqueue_indirect_dma source(%dma_start3A_298 : memref<10000x64xbf16, #tpu.memory_space<hbm>>) target(%arg19 : memref<200x64xbf16, #tpu.memory_space<vmem>>) offsets(%dma_start3A_295 : memref<200xi32, #tpu.memory_space<vmem>>) semaphore(%arg25 : memref<!tpu.dma_semaphore, #tpu.memory_space<semaphore_mem>>)
      } else {
      }
      %mul3A_211 = arith.constant 6 : i32
      %mul3A_212 = arith.muli %scan3A_139, %mul3A_211 : i32
      %add3A_213 = arith.constant 3 : i32
      %add3A_214 = arith.addi %mul3A_212, %add3A_213 : i32
      %mul3A_215 = arith.constant 200 : i32
      %mul3A_216 = arith.muli %add3A_214, %mul3A_215 : i32
      %dma_wait3A_217 = tpu.memref_slice %arg12[%mul3A_216] : memref<10000xi32, #tpu.memory_space<vmem>> -> memref<200xi32, #tpu.memory_space<vmem>>
      %dma_wait3A_218 = arith.constant 0 : i32
      %dma_wait3A_219 = arith.constant 0 : i32
      %dma_wait3A_220 = tpu.memref_slice %arg2[%dma_wait3A_218, %dma_wait3A_219] : memref<10000x64xbf16, #tpu.memory_space<hbm>> -> memref<10000x64xbf16, #tpu.memory_space<hbm>>
      tpu.wait_indirect_dma semaphore(%arg23 : memref<!tpu.dma_semaphore, #tpu.memory_space<semaphore_mem>>) src(%dma_wait3A_220 : memref<10000x64xbf16, #tpu.memory_space<hbm>>) dst(%arg17 : memref<200x64xbf16, #tpu.memory_space<vmem>>)
      %mul3A_221 = arith.constant 200 : i32
      %mul3A_222 = arith.muli %add3A_214, %mul3A_221 : i32
      %dma_start3A_223 = tpu.memref_slice %arg13[%mul3A_222] : memref<10000xi32, #tpu.memory_space<vmem>> -> memref<200xi32, #tpu.memory_space<vmem>>
      %dma_start3A_224 = arith.constant 0 : i32
      %dma_start3A_225 = arith.constant 0 : i32
      %dma_start3A_226 = tpu.memref_slice %arg11[%dma_start3A_224, %dma_start3A_225] : memref<10240x64xbf16, #tpu.memory_space<vmem_shared>> -> memref<10240x64xbf16, #tpu.memory_space<vmem_shared>>
      tpu.enqueue_indirect_dma source(%arg17 : memref<200x64xbf16, #tpu.memory_space<vmem>>) target(%dma_start3A_226 : memref<10240x64xbf16, #tpu.memory_space<vmem_shared>>) offsets(%dma_start3A_223 : memref<200xi32, #tpu.memory_space<vmem>>) semaphore(%arg29 : memref<!tpu.dma_semaphore, #tpu.memory_space<semaphore_mem>>) {add = true}
      %ge3A_227 = arith.constant 3 : i32
      %ge3A_228 = arith.cmpi sge, %add3A_214, %ge3A_227 : i32
      %le3A_229 = arith.constant 46 : i32
      %le3A_230 = arith.cmpi sle, %add3A_214, %le3A_229 : i32
      %and3A_231 = arith.andi %ge3A_228, %le3A_230 : i1
      %convert_element_type3A_232 = arith.extui %and3A_231 : i1 to i32
      %cond3A_233 = arith.constant 0 : i32
      %cond3A_234 = arith.cmpi ne, %convert_element_type3A_232, %cond3A_233 : i32
      scf.if %cond3A_234 {
        %sub3A = arith.constant 3 : i32
        %sub3A_284 = arith.subi %add3A_214, %sub3A : i32
        %mul3A_285 = arith.constant 200 : i32
        %mul3A_286 = arith.muli %sub3A_284, %mul3A_285 : i32
        %dma_wait3A_287 = tpu.memref_slice %arg13[%mul3A_286] : memref<10000xi32, #tpu.memory_space<vmem>> -> memref<200xi32, #tpu.memory_space<vmem>>
        %dma_wait3A_288 = arith.constant 0 : i32
        %dma_wait3A_289 = arith.constant 0 : i32
        %dma_wait3A_290 = tpu.memref_slice %arg10[%dma_wait3A_288, %dma_wait3A_289] : memref<10240x64xbf16, #tpu.memory_space<vmem_shared>> -> memref<10240x64xbf16, #tpu.memory_space<vmem_shared>>
        tpu.wait_indirect_dma semaphore(%arg26 : memref<!tpu.dma_semaphore, #tpu.memory_space<semaphore_mem>>) src(%arg14 : memref<200x64xbf16, #tpu.memory_space<vmem>>) dst(%dma_wait3A_290 : memref<10240x64xbf16, #tpu.memory_space<vmem_shared>>)
        %add3A_291 = arith.constant 3 : i32
        %add3A_292 = arith.addi %add3A_214, %add3A_291 : i32
        %mul3A_293 = arith.constant 200 : i32
        %mul3A_294 = arith.muli %add3A_292, %mul3A_293 : i32
        %dma_start3A_295 = tpu.memref_slice %arg12[%mul3A_294] : memref<10000xi32, #tpu.memory_space<vmem>> -> memref<200xi32, #tpu.memory_space<vmem>>
        %dma_start3A_296 = arith.constant 0 : i32
        %dma_start3A_297 = arith.constant 0 : i32
        %dma_start3A_298 = tpu.memref_slice %arg2[%dma_start3A_296, %dma_start3A_297] : memref<10000x64xbf16, #tpu.memory_space<hbm>> -> memref<10000x64xbf16, #tpu.memory_space<hbm>>
        tpu.enqueue_indirect_dma source(%dma_start3A_298 : memref<10000x64xbf16, #tpu.memory_space<hbm>>) target(%arg14 : memref<200x64xbf16, #tpu.memory_space<vmem>>) offsets(%dma_start3A_295 : memref<200xi32, #tpu.memory_space<vmem>>) semaphore(%arg20 : memref<!tpu.dma_semaphore, #tpu.memory_space<semaphore_mem>>)
      } else {
      }
      %mul3A_235 = arith.constant 6 : i32
      %mul3A_236 = arith.muli %scan3A_139, %mul3A_235 : i32
      %add3A_237 = arith.constant 4 : i32
      %add3A_238 = arith.addi %mul3A_236, %add3A_237 : i32
      %mul3A_239 = arith.constant 200 : i32
      %mul3A_240 = arith.muli %add3A_238, %mul3A_239 : i32
      %dma_wait3A_241 = tpu.memref_slice %arg12[%mul3A_240] : memref<10000xi32, #tpu.memory_space<vmem>> -> memref<200xi32, #tpu.memory_space<vmem>>
      %dma_wait3A_242 = arith.constant 0 : i32
      %dma_wait3A_243 = arith.constant 0 : i32
      %dma_wait3A_244 = tpu.memref_slice %arg2[%dma_wait3A_242, %dma_wait3A_243] : memref<10000x64xbf16, #tpu.memory_space<hbm>> -> memref<10000x64xbf16, #tpu.memory_space<hbm>>
      tpu.wait_indirect_dma semaphore(%arg24 : memref<!tpu.dma_semaphore, #tpu.memory_space<semaphore_mem>>) src(%dma_wait3A_244 : memref<10000x64xbf16, #tpu.memory_space<hbm>>) dst(%arg18 : memref<200x64xbf16, #tpu.memory_space<vmem>>)
      %mul3A_245 = arith.constant 200 : i32
      %mul3A_246 = arith.muli %add3A_238, %mul3A_245 : i32
      %dma_start3A_247 = tpu.memref_slice %arg13[%mul3A_246] : memref<10000xi32, #tpu.memory_space<vmem>> -> memref<200xi32, #tpu.memory_space<vmem>>
      %dma_start3A_248 = arith.constant 0 : i32
      %dma_start3A_249 = arith.constant 0 : i32
      %dma_start3A_250 = tpu.memref_slice %arg10[%dma_start3A_248, %dma_start3A_249] : memref<10240x64xbf16, #tpu.memory_space<vmem_shared>> -> memref<10240x64xbf16, #tpu.memory_space<vmem_shared>>
      tpu.enqueue_indirect_dma source(%arg18 : memref<200x64xbf16, #tpu.memory_space<vmem>>) target(%dma_start3A_250 : memref<10240x64xbf16, #tpu.memory_space<vmem_shared>>) offsets(%dma_start3A_247 : memref<200xi32, #tpu.memory_space<vmem>>) semaphore(%arg30 : memref<!tpu.dma_semaphore, #tpu.memory_space<semaphore_mem>>) {add = true}
      %ge3A_251 = arith.constant 3 : i32
      %ge3A_252 = arith.cmpi sge, %add3A_238, %ge3A_251 : i32
      %le3A_253 = arith.constant 46 : i32
      %le3A_254 = arith.cmpi sle, %add3A_238, %le3A_253 : i32
      %and3A_255 = arith.andi %ge3A_252, %le3A_254 : i1
      %convert_element_type3A_256 = arith.extui %and3A_255 : i1 to i32
      %cond3A_257 = arith.constant 0 : i32
      %cond3A_258 = arith.cmpi ne, %convert_element_type3A_256, %cond3A_257 : i32
      scf.if %cond3A_258 {
        %sub3A = arith.constant 3 : i32
        %sub3A_284 = arith.subi %add3A_238, %sub3A : i32
        %mul3A_285 = arith.constant 200 : i32
        %mul3A_286 = arith.muli %sub3A_284, %mul3A_285 : i32
        %dma_wait3A_287 = tpu.memref_slice %arg13[%mul3A_286] : memref<10000xi32, #tpu.memory_space<vmem>> -> memref<200xi32, #tpu.memory_space<vmem>>
        %dma_wait3A_288 = arith.constant 0 : i32
        %dma_wait3A_289 = arith.constant 0 : i32
        %dma_wait3A_290 = tpu.memref_slice %arg11[%dma_wait3A_288, %dma_wait3A_289] : memref<10240x64xbf16, #tpu.memory_space<vmem_shared>> -> memref<10240x64xbf16, #tpu.memory_space<vmem_shared>>
        tpu.wait_indirect_dma semaphore(%arg27 : memref<!tpu.dma_semaphore, #tpu.memory_space<semaphore_mem>>) src(%arg15 : memref<200x64xbf16, #tpu.memory_space<vmem>>) dst(%dma_wait3A_290 : memref<10240x64xbf16, #tpu.memory_space<vmem_shared>>)
        %add3A_291 = arith.constant 3 : i32
        %add3A_292 = arith.addi %add3A_238, %add3A_291 : i32
        %mul3A_293 = arith.constant 200 : i32
        %mul3A_294 = arith.muli %add3A_292, %mul3A_293 : i32
        %dma_start3A_295 = tpu.memref_slice %arg12[%mul3A_294] : memref<10000xi32, #tpu.memory_space<vmem>> -> memref<200xi32, #tpu.memory_space<vmem>>
        %dma_start3A_296 = arith.constant 0 : i32
        %dma_start3A_297 = arith.constant 0 : i32
        %dma_start3A_298 = tpu.memref_slice %arg2[%dma_start3A_296, %dma_start3A_297] : memref<10000x64xbf16, #tpu.memory_space<hbm>> -> memref<10000x64xbf16, #tpu.memory_space<hbm>>
        tpu.enqueue_indirect_dma source(%dma_start3A_298 : memref<10000x64xbf16, #tpu.memory_space<hbm>>) target(%arg15 : memref<200x64xbf16, #tpu.memory_space<vmem>>) offsets(%dma_start3A_295 : memref<200xi32, #tpu.memory_space<vmem>>) semaphore(%arg21 : memref<!tpu.dma_semaphore, #tpu.memory_space<semaphore_mem>>)
      } else {
      }
      %mul3A_259 = arith.constant 6 : i32
      %mul3A_260 = arith.muli %scan3A_139, %mul3A_259 : i32
      %add3A_261 = arith.constant 5 : i32
      %add3A_262 = arith.addi %mul3A_260, %add3A_261 : i32
      %mul3A_263 = arith.constant 200 : i32
      %mul3A_264 = arith.muli %add3A_262, %mul3A_263 : i32
      %dma_wait3A_265 = tpu.memref_slice %arg12[%mul3A_264] : memref<10000xi32, #tpu.memory_space<vmem>> -> memref<200xi32, #tpu.memory_space<vmem>>
      %dma_wait3A_266 = arith.constant 0 : i32
      %dma_wait3A_267 = arith.constant 0 : i32
      %dma_wait3A_268 = tpu.memref_slice %arg2[%dma_wait3A_266, %dma_wait3A_267] : memref<10000x64xbf16, #tpu.memory_space<hbm>> -> memref<10000x64xbf16, #tpu.memory_space<hbm>>
      tpu.wait_indirect_dma semaphore(%arg25 : memref<!tpu.dma_semaphore, #tpu.memory_space<semaphore_mem>>) src(%dma_wait3A_268 : memref<10000x64xbf16, #tpu.memory_space<hbm>>) dst(%arg19 : memref<200x64xbf16, #tpu.memory_space<vmem>>)
      %mul3A_269 = arith.constant 200 : i32
      %mul3A_270 = arith.muli %add3A_262, %mul3A_269 : i32
      %dma_start3A_271 = tpu.memref_slice %arg13[%mul3A_270] : memref<10000xi32, #tpu.memory_space<vmem>> -> memref<200xi32, #tpu.memory_space<vmem>>
      %dma_start3A_272 = arith.constant 0 : i32
      %dma_start3A_273 = arith.constant 0 : i32
      %dma_start3A_274 = tpu.memref_slice %arg11[%dma_start3A_272, %dma_start3A_273] : memref<10240x64xbf16, #tpu.memory_space<vmem_shared>> -> memref<10240x64xbf16, #tpu.memory_space<vmem_shared>>
      tpu.enqueue_indirect_dma source(%arg19 : memref<200x64xbf16, #tpu.memory_space<vmem>>) target(%dma_start3A_274 : memref<10240x64xbf16, #tpu.memory_space<vmem_shared>>) offsets(%dma_start3A_271 : memref<200xi32, #tpu.memory_space<vmem>>) semaphore(%arg31 : memref<!tpu.dma_semaphore, #tpu.memory_space<semaphore_mem>>) {add = true}
      %ge3A_275 = arith.constant 3 : i32
      %ge3A_276 = arith.cmpi sge, %add3A_262, %ge3A_275 : i32
      %le3A_277 = arith.constant 46 : i32
      %le3A_278 = arith.cmpi sle, %add3A_262, %le3A_277 : i32
      %and3A_279 = arith.andi %ge3A_276, %le3A_278 : i1
      %convert_element_type3A_280 = arith.extui %and3A_279 : i1 to i32
      %cond3A_281 = arith.constant 0 : i32
      %cond3A_282 = arith.cmpi ne, %convert_element_type3A_280, %cond3A_281 : i32
      scf.if %cond3A_282 {
        %sub3A = arith.constant 3 : i32
        %sub3A_284 = arith.subi %add3A_262, %sub3A : i32
        %mul3A_285 = arith.constant 200 : i32
        %mul3A_286 = arith.muli %sub3A_284, %mul3A_285 : i32
        %dma_wait3A_287 = tpu.memref_slice %arg13[%mul3A_286] : memref<10000xi32, #tpu.memory_space<vmem>> -> memref<200xi32, #tpu.memory_space<vmem>>
        %dma_wait3A_288 = arith.constant 0 : i32
        %dma_wait3A_289 = arith.constant 0 : i32
        %dma_wait3A_290 = tpu.memref_slice %arg10[%dma_wait3A_288, %dma_wait3A_289] : memref<10240x64xbf16, #tpu.memory_space<vmem_shared>> -> memref<10240x64xbf16, #tpu.memory_space<vmem_shared>>
        tpu.wait_indirect_dma semaphore(%arg28 : memref<!tpu.dma_semaphore, #tpu.memory_space<semaphore_mem>>) src(%arg16 : memref<200x64xbf16, #tpu.memory_space<vmem>>) dst(%dma_wait3A_290 : memref<10240x64xbf16, #tpu.memory_space<vmem_shared>>)
        %add3A_291 = arith.constant 3 : i32
        %add3A_292 = arith.addi %add3A_262, %add3A_291 : i32
        %mul3A_293 = arith.constant 200 : i32
        %mul3A_294 = arith.muli %add3A_292, %mul3A_293 : i32
        %dma_start3A_295 = tpu.memref_slice %arg12[%mul3A_294] : memref<10000xi32, #tpu.memory_space<vmem>> -> memref<200xi32, #tpu.memory_space<vmem>>
        %dma_start3A_296 = arith.constant 0 : i32
        %dma_start3A_297 = arith.constant 0 : i32
        %dma_start3A_298 = tpu.memref_slice %arg2[%dma_start3A_296, %dma_start3A_297] : memref<10000x64xbf16, #tpu.memory_space<hbm>> -> memref<10000x64xbf16, #tpu.memory_space<hbm>>
        tpu.enqueue_indirect_dma source(%dma_start3A_298 : memref<10000x64xbf16, #tpu.memory_space<hbm>>) target(%arg16 : memref<200x64xbf16, #tpu.memory_space<vmem>>) offsets(%dma_start3A_295 : memref<200xi32, #tpu.memory_space<vmem>>) semaphore(%arg22 : memref<!tpu.dma_semaphore, #tpu.memory_space<semaphore_mem>>)
      } else {
      }
      %scan3A_283 = arith.constant 0 : i32
      scf.yield %scan3A_283 : i32
    }
    %scan3A_78 = arith.constant 8 : i32
    %dma_wait3A = arith.constant 9600 : i32
    %dma_wait3A_79 = tpu.memref_slice %arg12[%dma_wait3A] : memref<10000xi32, #tpu.memory_space<vmem>> -> memref<200xi32, #tpu.memory_space<vmem>>
    %dma_wait3A_80 = arith.constant 0 : i32
    %dma_wait3A_81 = arith.constant 0 : i32
    %dma_wait3A_82 = tpu.memref_slice %arg2[%dma_wait3A_80, %dma_wait3A_81] : memref<10000x64xbf16, #tpu.memory_space<hbm>> -> memref<10000x64xbf16, #tpu.memory_space<hbm>>
    tpu.wait_indirect_dma semaphore(%arg20 : memref<!tpu.dma_semaphore, #tpu.memory_space<semaphore_mem>>) src(%dma_wait3A_82 : memref<10000x64xbf16, #tpu.memory_space<hbm>>) dst(%arg14 : memref<200x64xbf16, #tpu.memory_space<vmem>>)
    %dma_start3A_83 = arith.constant 9600 : i32
    %dma_start3A_84 = tpu.memref_slice %arg13[%dma_start3A_83] : memref<10000xi32, #tpu.memory_space<vmem>> -> memref<200xi32, #tpu.memory_space<vmem>>
    %dma_start3A_85 = arith.constant 0 : i32
    %dma_start3A_86 = arith.constant 0 : i32
    %dma_start3A_87 = tpu.memref_slice %arg10[%dma_start3A_85, %dma_start3A_86] : memref<10240x64xbf16, #tpu.memory_space<vmem_shared>> -> memref<10240x64xbf16, #tpu.memory_space<vmem_shared>>
    tpu.enqueue_indirect_dma source(%arg14 : memref<200x64xbf16, #tpu.memory_space<vmem>>) target(%dma_start3A_87 : memref<10240x64xbf16, #tpu.memory_space<vmem_shared>>) offsets(%dma_start3A_84 : memref<200xi32, #tpu.memory_space<vmem>>) semaphore(%arg26 : memref<!tpu.dma_semaphore, #tpu.memory_space<semaphore_mem>>) {add = true}
    %dma_wait3A_88 = arith.constant 9800 : i32
    %dma_wait3A_89 = tpu.memref_slice %arg12[%dma_wait3A_88] : memref<10000xi32, #tpu.memory_space<vmem>> -> memref<200xi32, #tpu.memory_space<vmem>>
    %dma_wait3A_90 = arith.constant 0 : i32
    %dma_wait3A_91 = arith.constant 0 : i32
    %dma_wait3A_92 = tpu.memref_slice %arg2[%dma_wait3A_90, %dma_wait3A_91] : memref<10000x64xbf16, #tpu.memory_space<hbm>> -> memref<10000x64xbf16, #tpu.memory_space<hbm>>
    tpu.wait_indirect_dma semaphore(%arg21 : memref<!tpu.dma_semaphore, #tpu.memory_space<semaphore_mem>>) src(%dma_wait3A_92 : memref<10000x64xbf16, #tpu.memory_space<hbm>>) dst(%arg15 : memref<200x64xbf16, #tpu.memory_space<vmem>>)
    %dma_start3A_93 = arith.constant 9800 : i32
    %dma_start3A_94 = tpu.memref_slice %arg13[%dma_start3A_93] : memref<10000xi32, #tpu.memory_space<vmem>> -> memref<200xi32, #tpu.memory_space<vmem>>
    %dma_start3A_95 = arith.constant 0 : i32
    %dma_start3A_96 = arith.constant 0 : i32
    %dma_start3A_97 = tpu.memref_slice %arg11[%dma_start3A_95, %dma_start3A_96] : memref<10240x64xbf16, #tpu.memory_space<vmem_shared>> -> memref<10240x64xbf16, #tpu.memory_space<vmem_shared>>
    tpu.enqueue_indirect_dma source(%arg15 : memref<200x64xbf16, #tpu.memory_space<vmem>>) target(%dma_start3A_97 : memref<10240x64xbf16, #tpu.memory_space<vmem_shared>>) offsets(%dma_start3A_94 : memref<200xi32, #tpu.memory_space<vmem>>) semaphore(%arg27 : memref<!tpu.dma_semaphore, #tpu.memory_space<semaphore_mem>>) {add = true}
    %dma_wait3A_98 = arith.constant 8800 : i32
    %dma_wait3A_99 = tpu.memref_slice %arg13[%dma_wait3A_98] : memref<10000xi32, #tpu.memory_space<vmem>> -> memref<200xi32, #tpu.memory_space<vmem>>
    %dma_wait3A_100 = arith.constant 0 : i32
    %dma_wait3A_101 = arith.constant 0 : i32
    %dma_wait3A_102 = tpu.memref_slice %arg10[%dma_wait3A_100, %dma_wait3A_101] : memref<10240x64xbf16, #tpu.memory_space<vmem_shared>> -> memref<10240x64xbf16, #tpu.memory_space<vmem_shared>>
    tpu.wait_indirect_dma semaphore(%arg28 : memref<!tpu.dma_semaphore, #tpu.memory_space<semaphore_mem>>) src(%arg16 : memref<200x64xbf16, #tpu.memory_space<vmem>>) dst(%dma_wait3A_102 : memref<10240x64xbf16, #tpu.memory_space<vmem_shared>>)
    %dma_wait3A_103 = arith.constant 9000 : i32
    %dma_wait3A_104 = tpu.memref_slice %arg13[%dma_wait3A_103] : memref<10000xi32, #tpu.memory_space<vmem>> -> memref<200xi32, #tpu.memory_space<vmem>>
    %dma_wait3A_105 = arith.constant 0 : i32
    %dma_wait3A_106 = arith.constant 0 : i32
    %dma_wait3A_107 = tpu.memref_slice %arg11[%dma_wait3A_105, %dma_wait3A_106] : memref<10240x64xbf16, #tpu.memory_space<vmem_shared>> -> memref<10240x64xbf16, #tpu.memory_space<vmem_shared>>
    tpu.wait_indirect_dma semaphore(%arg29 : memref<!tpu.dma_semaphore, #tpu.memory_space<semaphore_mem>>) src(%arg17 : memref<200x64xbf16, #tpu.memory_space<vmem>>) dst(%dma_wait3A_107 : memref<10240x64xbf16, #tpu.memory_space<vmem_shared>>)
    %dma_wait3A_108 = arith.constant 9200 : i32
    %dma_wait3A_109 = tpu.memref_slice %arg13[%dma_wait3A_108] : memref<10000xi32, #tpu.memory_space<vmem>> -> memref<200xi32, #tpu.memory_space<vmem>>
    %dma_wait3A_110 = arith.constant 0 : i32
    %dma_wait3A_111 = arith.constant 0 : i32
    %dma_wait3A_112 = tpu.memref_slice %arg10[%dma_wait3A_110, %dma_wait3A_111] : memref<10240x64xbf16, #tpu.memory_space<vmem_shared>> -> memref<10240x64xbf16, #tpu.memory_space<vmem_shared>>
    tpu.wait_indirect_dma semaphore(%arg30 : memref<!tpu.dma_semaphore, #tpu.memory_space<semaphore_mem>>) src(%arg18 : memref<200x64xbf16, #tpu.memory_space<vmem>>) dst(%dma_wait3A_112 : memref<10240x64xbf16, #tpu.memory_space<vmem_shared>>)
    %dma_wait3A_113 = arith.constant 9400 : i32
    %dma_wait3A_114 = tpu.memref_slice %arg13[%dma_wait3A_113] : memref<10000xi32, #tpu.memory_space<vmem>> -> memref<200xi32, #tpu.memory_space<vmem>>
    %dma_wait3A_115 = arith.constant 0 : i32
    %dma_wait3A_116 = arith.constant 0 : i32
    %dma_wait3A_117 = tpu.memref_slice %arg11[%dma_wait3A_115, %dma_wait3A_116] : memref<10240x64xbf16, #tpu.memory_space<vmem_shared>> -> memref<10240x64xbf16, #tpu.memory_space<vmem_shared>>
    tpu.wait_indirect_dma semaphore(%arg31 : memref<!tpu.dma_semaphore, #tpu.memory_space<semaphore_mem>>) src(%arg19 : memref<200x64xbf16, #tpu.memory_space<vmem>>) dst(%dma_wait3A_117 : memref<10240x64xbf16, #tpu.memory_space<vmem_shared>>)
    %dma_wait3A_118 = arith.constant 9600 : i32
    %dma_wait3A_119 = tpu.memref_slice %arg13[%dma_wait3A_118] : memref<10000xi32, #tpu.memory_space<vmem>> -> memref<200xi32, #tpu.memory_space<vmem>>
    %dma_wait3A_120 = arith.constant 0 : i32
    %dma_wait3A_121 = arith.constant 0 : i32
    %dma_wait3A_122 = tpu.memref_slice %arg10[%dma_wait3A_120, %dma_wait3A_121] : memref<10240x64xbf16, #tpu.memory_space<vmem_shared>> -> memref<10240x64xbf16, #tpu.memory_space<vmem_shared>>
    tpu.wait_indirect_dma semaphore(%arg26 : memref<!tpu.dma_semaphore, #tpu.memory_space<semaphore_mem>>) src(%arg14 : memref<200x64xbf16, #tpu.memory_space<vmem>>) dst(%dma_wait3A_122 : memref<10240x64xbf16, #tpu.memory_space<vmem_shared>>)
    %dma_wait3A_123 = arith.constant 9800 : i32
    %dma_wait3A_124 = tpu.memref_slice %arg13[%dma_wait3A_123] : memref<10000xi32, #tpu.memory_space<vmem>> -> memref<200xi32, #tpu.memory_space<vmem>>
    %dma_wait3A_125 = arith.constant 0 : i32
    %dma_wait3A_126 = arith.constant 0 : i32
    %dma_wait3A_127 = tpu.memref_slice %arg11[%dma_wait3A_125, %dma_wait3A_126] : memref<10240x64xbf16, #tpu.memory_space<vmem_shared>> -> memref<10240x64xbf16, #tpu.memory_space<vmem_shared>>
    tpu.wait_indirect_dma semaphore(%arg27 : memref<!tpu.dma_semaphore, #tpu.memory_space<semaphore_mem>>) src(%arg15 : memref<200x64xbf16, #tpu.memory_space<vmem>>) dst(%dma_wait3A_127 : memref<10240x64xbf16, #tpu.memory_space<vmem_shared>>)
    %barrier3A_128 = arith.constant 0 : index
    tpu.barrier barrier_id(%barrier3A_128)
    %eq3A_129 = arith.constant 0 : i32
    %eq3A_130 = arith.cmpi eq, %arg0, %eq3A_129 : i32
    %convert_element_type3A_131 = arith.extui %eq3A_130 : i1 to i32
    %cond3A_132 = arith.constant 0 : i32
    %cond3A_133 = arith.cmpi ne, %convert_element_type3A_131, %cond3A_132 : i32
    scf.if %cond3A_133 {
      "tpu.region"() ({
        %run_scoped3A = tpu.sem_alloc : memref<!tpu.dma_semaphore, #tpu.memory_space<semaphore_mem>>
        %dma_start3A_139 = arith.constant 0 : i32
        %dma_start3A_140 = tpu.memref_slice %arg6[%mul3A_2, %dma_start3A_139] : memref<10240x64xbf16, #tpu.memory_space<hbm>> -> memref<640x64xbf16, #tpu.memory_space<hbm>>
        %dma_start3A_141 = arith.constant 0 : i32
        %dma_start3A_142 = tpu.memref_slice %arg10[%mul3A_2, %dma_start3A_141] : memref<10240x64xbf16, #tpu.memory_space<vmem_shared>> -> memref<640x64xbf16, #tpu.memory_space<vmem_shared>>
        tpu.enqueue_dma source(%dma_start3A_142 : memref<640x64xbf16, #tpu.memory_space<vmem_shared>>) target(%dma_start3A_140 : memref<640x64xbf16, #tpu.memory_space<hbm>>) target_semaphore(%run_scoped3A : memref<!tpu.dma_semaphore, #tpu.memory_space<semaphore_mem>>)
        %dma_wait3A_143 = arith.constant 0 : i32
        %dma_wait3A_144 = tpu.memref_slice %arg6[%mul3A_2, %dma_wait3A_143] : memref<10240x64xbf16, #tpu.memory_space<hbm>> -> memref<640x64xbf16, #tpu.memory_space<hbm>>
        %dma_wait3A_145 = arith.constant 0 : i32
        %dma_wait3A_146 = tpu.memref_slice %arg10[%mul3A_2, %dma_wait3A_145] : memref<10240x64xbf16, #tpu.memory_space<vmem_shared>> -> memref<640x64xbf16, #tpu.memory_space<vmem_shared>>
        tpu.wait_dma2 semaphore(%run_scoped3A : memref<!tpu.dma_semaphore, #tpu.memory_space<semaphore_mem>>) src(%dma_wait3A_146 : memref<640x64xbf16, #tpu.memory_space<vmem_shared>>) dst(%dma_wait3A_144 : memref<640x64xbf16, #tpu.memory_space<hbm>>)
        tpu.yield
      }) : () -> ()
      "tpu.region"() ({
        %run_scoped3A = tpu.sem_alloc : memref<!tpu.dma_semaphore, #tpu.memory_space<semaphore_mem>>
        %dma_start3A_139 = arith.constant 0 : i32
        %dma_start3A_140 = tpu.memref_slice %arg7[%mul3A_2, %dma_start3A_139] : memref<10240x64xbf16, #tpu.memory_space<hbm>> -> memref<640x64xbf16, #tpu.memory_space<hbm>>
        %dma_start3A_141 = arith.constant 0 : i32
        %dma_start3A_142 = tpu.memref_slice %arg11[%mul3A_2, %dma_start3A_141] : memref<10240x64xbf16, #tpu.memory_space<vmem_shared>> -> memref<640x64xbf16, #tpu.memory_space<vmem_shared>>
        tpu.enqueue_dma source(%dma_start3A_142 : memref<640x64xbf16, #tpu.memory_space<vmem_shared>>) target(%dma_start3A_140 : memref<640x64xbf16, #tpu.memory_space<hbm>>) target_semaphore(%run_scoped3A : memref<!tpu.dma_semaphore, #tpu.memory_space<semaphore_mem>>)
        %dma_wait3A_143 = arith.constant 0 : i32
        %dma_wait3A_144 = tpu.memref_slice %arg7[%mul3A_2, %dma_wait3A_143] : memref<10240x64xbf16, #tpu.memory_space<hbm>> -> memref<640x64xbf16, #tpu.memory_space<hbm>>
        %dma_wait3A_145 = arith.constant 0 : i32
        %dma_wait3A_146 = tpu.memref_slice %arg11[%mul3A_2, %dma_wait3A_145] : memref<10240x64xbf16, #tpu.memory_space<vmem_shared>> -> memref<640x64xbf16, #tpu.memory_space<vmem_shared>>
        tpu.wait_dma2 semaphore(%run_scoped3A : memref<!tpu.dma_semaphore, #tpu.memory_space<semaphore_mem>>) src(%dma_wait3A_146 : memref<640x64xbf16, #tpu.memory_space<vmem_shared>>) dst(%dma_wait3A_144 : memref<640x64xbf16, #tpu.memory_space<hbm>>)
        tpu.yield
      }) : () -> ()
    } else {
    }
    %eq3A_134 = arith.constant 1 : i32
    %eq3A_135 = arith.cmpi eq, %arg0, %eq3A_134 : i32
    %convert_element_type3A_136 = arith.extui %eq3A_135 : i1 to i32
    %cond3A_137 = arith.constant 0 : i32
    %cond3A_138 = arith.cmpi ne, %convert_element_type3A_136, %cond3A_137 : i32
    scf.if %cond3A_138 {
      "tpu.region"() ({
        %run_scoped3A = tpu.sem_alloc : memref<!tpu.dma_semaphore, #tpu.memory_space<semaphore_mem>>
        %dma_start3A_139 = arith.constant 0 : i32
        %dma_start3A_140 = tpu.memref_slice %arg8[%mul3A_2, %dma_start3A_139] : memref<10240x64xbf16, #tpu.memory_space<hbm>> -> memref<640x64xbf16, #tpu.memory_space<hbm>>
        %dma_start3A_141 = arith.constant 0 : i32
        %dma_start3A_142 = tpu.memref_slice %arg10[%mul3A_2, %dma_start3A_141] : memref<10240x64xbf16, #tpu.memory_space<vmem_shared>> -> memref<640x64xbf16, #tpu.memory_space<vmem_shared>>
        tpu.enqueue_dma source(%dma_start3A_142 : memref<640x64xbf16, #tpu.memory_space<vmem_shared>>) target(%dma_start3A_140 : memref<640x64xbf16, #tpu.memory_space<hbm>>) target_semaphore(%run_scoped3A : memref<!tpu.dma_semaphore, #tpu.memory_space<semaphore_mem>>)
        %dma_wait3A_143 = arith.constant 0 : i32
        %dma_wait3A_144 = tpu.memref_slice %arg8[%mul3A_2, %dma_wait3A_143] : memref<10240x64xbf16, #tpu.memory_space<hbm>> -> memref<640x64xbf16, #tpu.memory_space<hbm>>
        %dma_wait3A_145 = arith.constant 0 : i32
        %dma_wait3A_146 = tpu.memref_slice %arg10[%mul3A_2, %dma_wait3A_145] : memref<10240x64xbf16, #tpu.memory_space<vmem_shared>> -> memref<640x64xbf16, #tpu.memory_space<vmem_shared>>
        tpu.wait_dma2 semaphore(%run_scoped3A : memref<!tpu.dma_semaphore, #tpu.memory_space<semaphore_mem>>) src(%dma_wait3A_146 : memref<640x64xbf16, #tpu.memory_space<vmem_shared>>) dst(%dma_wait3A_144 : memref<640x64xbf16, #tpu.memory_space<hbm>>)
        tpu.yield
      }) : () -> ()
      "tpu.region"() ({
        %run_scoped3A = tpu.sem_alloc : memref<!tpu.dma_semaphore, #tpu.memory_space<semaphore_mem>>
        %dma_start3A_139 = arith.constant 0 : i32
        %dma_start3A_140 = tpu.memref_slice %arg9[%mul3A_2, %dma_start3A_139] : memref<10240x64xbf16, #tpu.memory_space<hbm>> -> memref<640x64xbf16, #tpu.memory_space<hbm>>
        %dma_start3A_141 = arith.constant 0 : i32
        %dma_start3A_142 = tpu.memref_slice %arg11[%mul3A_2, %dma_start3A_141] : memref<10240x64xbf16, #tpu.memory_space<vmem_shared>> -> memref<640x64xbf16, #tpu.memory_space<vmem_shared>>
        tpu.enqueue_dma source(%dma_start3A_142 : memref<640x64xbf16, #tpu.memory_space<vmem_shared>>) target(%dma_start3A_140 : memref<640x64xbf16, #tpu.memory_space<hbm>>) target_semaphore(%run_scoped3A : memref<!tpu.dma_semaphore, #tpu.memory_space<semaphore_mem>>)
        %dma_wait3A_143 = arith.constant 0 : i32
        %dma_wait3A_144 = tpu.memref_slice %arg9[%mul3A_2, %dma_wait3A_143] : memref<10240x64xbf16, #tpu.memory_space<hbm>> -> memref<640x64xbf16, #tpu.memory_space<hbm>>
        %dma_wait3A_145 = arith.constant 0 : i32
        %dma_wait3A_146 = tpu.memref_slice %arg11[%mul3A_2, %dma_wait3A_145] : memref<10240x64xbf16, #tpu.memory_space<vmem_shared>> -> memref<640x64xbf16, #tpu.memory_space<vmem_shared>>
        tpu.wait_dma2 semaphore(%run_scoped3A : memref<!tpu.dma_semaphore, #tpu.memory_space<semaphore_mem>>) src(%dma_wait3A_146 : memref<640x64xbf16, #tpu.memory_space<vmem_shared>>) dst(%dma_wait3A_144 : memref<640x64xbf16, #tpu.memory_space<hbm>>)
        tpu.yield
      }) : () -> ()
    } else {
    }
    return
  }
}

module attributes {stable_mosaic.version = 14 : i64} {
  func.func @_edge_body(%arg0: i32, %arg1: memref<2x320000xi32, #tpu.memory_space<vmem>>, %arg2: memref<320000xi32, #tpu.memory_space<vmem>>, %arg3: memref<320000xi32, #tpu.memory_space<vmem>>) attributes {dimension_semantics = [#tpu.dimension_semantics<arbitrary>], iteration_bounds = array<i64: 1>, scalar_prefetch = 0 : i64, scratch_operands = 0 : i64, tpu.core_type = #tpu.core_type<tc>, window_params = [{transform_indices = @transform_0, window_bounds = array<i64: 2, 320000>}, {transform_indices = @transform_1, window_bounds = array<i64: 320000>}, {transform_indices = @transform_2, window_bounds = array<i64: 320000>}]} {
    %get3A = arith.constant 0 : index
    %get3A_0 = arith.constant 0 : index
    %get3A_1 = vector.load %arg1[%get3A, %get3A_0] : memref<2x320000xi32, #tpu.memory_space<vmem>>, vector<1x320000xi32>
    %reshape3A = vector.shape_cast %get3A_1 : vector<1x320000xi32> to vector<320000xi32>
    %swap3A = arith.constant 0 : index
    %swap3A_2 = vector.load %arg2[%swap3A] : memref<320000xi32, #tpu.memory_space<vmem>>, vector<320000xi32>
    tpu.vector_store %arg2[%swap3A], %reshape3A {strides = array<i32>} : memref<320000xi32, #tpu.memory_space<vmem>>, vector<320000xi32>,
    %get3A_3 = arith.constant 1 : index
    %get3A_4 = arith.constant 0 : index
    %get3A_5 = vector.load %arg1[%get3A_3, %get3A_4] : memref<2x320000xi32, #tpu.memory_space<vmem>>, vector<1x320000xi32>
    %reshape3A_6 = vector.shape_cast %get3A_5 : vector<1x320000xi32> to vector<320000xi32>
    %swap3A_7 = arith.constant 0 : index
    %swap3A_8 = vector.load %arg3[%swap3A_7] : memref<320000xi32, #tpu.memory_space<vmem>>, vector<320000xi32>
    tpu.vector_store %arg3[%swap3A_7], %reshape3A_6 {strides = array<i32>} : memref<320000xi32, #tpu.memory_space<vmem>>, vector<320000xi32>,
    return
  }
  func.func @transform_0(%arg0: i32) -> (i32, i32) {
    %c0_i32 = arith.constant 0 : i32
    %c0_i32_0 = arith.constant 0 : i32
    return %c0_i32, %arg0 : i32, i32
  }
  func.func @transform_1(%arg0: i32) -> i32 {
    %c0_i32 = arith.constant 0 : i32
    return %arg0 : i32
  }
  func.func @transform_2(%arg0: i32) -> i32 {
    %c0_i32 = arith.constant 0 : i32
    return %arg0 : i32
  }
}

module attributes {stable_mosaic.version = 14 : i64} {
  func.func @_matmul_body(%arg0: i32, %arg1: memref<2000x128xf32, #tpu.memory_space<vmem>>, %arg2: memref<128x64xf32, #tpu.memory_space<vmem>>, %arg3: memref<2000x64xf32, #tpu.memory_space<vmem>>) attributes {dimension_semantics = [#tpu.dimension_semantics<arbitrary>], iteration_bounds = array<i64: 5>, scalar_prefetch = 0 : i64, scratch_operands = 0 : i64, tpu.core_type = #tpu.core_type<tc>, window_params = [{transform_indices = @transform_0, window_bounds = array<i64: 2000, 128>}, {pipeline_mode = #tpu.pipeline_mode<synchronous>, transform_indices = @transform_1, window_bounds = array<i64: 128, 64>}, {transform_indices = @transform_2, window_bounds = array<i64: 2000, 64>}]} {
    %get3A = arith.constant 0 : index
    %get3A_0 = arith.constant 0 : index
    %get3A_1 = vector.load %arg1[%get3A, %get3A_0] : memref<2000x128xf32, #tpu.memory_space<vmem>>, vector<2000x128xf32>
    %get3A_2 = arith.constant 0 : index
    %get3A_3 = arith.constant 0 : index
    %get3A_4 = vector.load %arg2[%get3A_2, %get3A_3] : memref<128x64xf32, #tpu.memory_space<vmem>>, vector<128x64xf32>
    %dot_general3A = arith.constant dense<0.000000e+00> : vector<2000x64xf32>
    %dot_general3A_5 = tpu.matmul %get3A_1, %get3A_4, %dot_general3A {dimension_numbers = #tpu.dot_dimension_numbers<[1], [0], [0], [1], [0, 0, 1, 1], [], []>, transpose_lhs_hint = false} : vector<2000x128xf32>, vector<128x64xf32>, vector<2000x64xf32> -> vector<2000x64xf32>
    %swap3A = arith.constant 0 : index
    %swap3A_6 = arith.constant 0 : index
    %swap3A_7 = vector.load %arg3[%swap3A, %swap3A_6] : memref<2000x64xf32, #tpu.memory_space<vmem>>, vector<2000x64xf32>
    tpu.vector_store %arg3[%swap3A, %swap3A_6], %dot_general3A_5 {strides = array<i32>} : memref<2000x64xf32, #tpu.memory_space<vmem>>, vector<2000x64xf32>,
    return
  }
  func.func @transform_0(%arg0: i32) -> (i32, i32) {
    %c0_i32 = arith.constant 0 : i32
    %c0_i32_0 = arith.constant 0 : i32
    return %arg0, %c0_i32 : i32, i32
  }
  func.func @transform_1(%arg0: i32) -> (i32, i32) {
    %c0_i32 = arith.constant 0 : i32
    %c0_i32_0 = arith.constant 0 : i32
    %c0_i32_1 = arith.constant 0 : i32
    return %c0_i32, %c0_i32_0 : i32, i32
  }
  func.func @transform_2(%arg0: i32) -> (i32, i32) {
    %c0_i32 = arith.constant 0 : i32
    %c0_i32_0 = arith.constant 0 : i32
    return %arg0, %c0_i32 : i32, i32
  }
}

module attributes {stable_mosaic.version = 14 : i64} {
  func.func @_scale_body(%arg0: i32, %arg1: memref<2000x64xf32, #tpu.memory_space<vmem>>, %arg2: memref<2000x8xf32, #tpu.memory_space<vmem>>, %arg3: memref<2000x8xf32, #tpu.memory_space<vmem>>, %arg4: memref<2000x64xbf16, #tpu.memory_space<vmem>>, %arg5: memref<2000x1xf32, #tpu.memory_space<vmem>>) attributes {dimension_semantics = [#tpu.dimension_semantics<arbitrary>], iteration_bounds = array<i64: 5>, scalar_prefetch = 0 : i64, scratch_operands = 0 : i64, tpu.core_type = #tpu.core_type<tc>, window_params = [{transform_indices = @transform_0, window_bounds = array<i64: 2000, 64>}, {transform_indices = @transform_1, window_bounds = array<i64: 2000, 8>}, {transform_indices = @transform_2, window_bounds = array<i64: 2000, 8>}, {transform_indices = @transform_3, window_bounds = array<i64: 2000, 64>}, {transform_indices = @transform_4, window_bounds = array<i64: 2000, 1>}]} {
    %get3A = arith.constant 0 : index
    %get3A_0 = arith.constant 0 : index
    %get3A_1 = vector.load %arg2[%get3A, %get3A_0] : memref<2000x8xf32, #tpu.memory_space<vmem>>, vector<2000x8xf32>
    %slice3A = vector.extract_strided_slice %get3A_1 {offsets = [0, 0], sizes = [2000, 1], strides = [1, 1]} : vector<2000x8xf32> to vector<2000x1xf32>
    %get3A_2 = arith.constant 0 : index
    %get3A_3 = arith.constant 0 : index
    %get3A_4 = vector.load %arg3[%get3A_2, %get3A_3] : memref<2000x8xf32, #tpu.memory_space<vmem>>, vector<2000x8xf32>
    %slice3A_5 = vector.extract_strided_slice %get3A_4 {offsets = [0, 0], sizes = [2000, 1], strides = [1, 1]} : vector<2000x8xf32> to vector<2000x1xf32>
    %add3A = arith.addf %slice3A, %slice3A_5 : vector<2000x1xf32>
    %add3A_6 = arith.constant 1.000000e+00 : f32
    %add3A_7 = vector.broadcast %add3A_6 : f32 to vector<2000x1xf32>
    %add3A_8 = arith.addf %add3A, %add3A_7 : vector<2000x1xf32>
    %rsqrt3A = math.rsqrt %add3A_8 : vector<2000x1xf32>
    %get3A_9 = arith.constant 0 : index
    %get3A_10 = arith.constant 0 : index
    %get3A_11 = vector.load %arg1[%get3A_9, %get3A_10] : memref<2000x64xf32, #tpu.memory_space<vmem>>, vector<2000x64xf32>
    %mul3A = vector.broadcast %rsqrt3A : vector<2000x1xf32> to vector<2000x64xf32>
    %mul3A_12 = arith.mulf %get3A_11, %mul3A : vector<2000x64xf32>
    %convert_element_type3A = arith.truncf %mul3A_12 : vector<2000x64xf32> to vector<2000x64xbf16>
    %swap3A = arith.constant 0 : index
    %swap3A_13 = arith.constant 0 : index
    %swap3A_14 = vector.load %arg4[%swap3A, %swap3A_13] : memref<2000x64xbf16, #tpu.memory_space<vmem>>, vector<2000x64xbf16>
    tpu.vector_store %arg4[%swap3A, %swap3A_13], %convert_element_type3A {strides = array<i32>} : memref<2000x64xbf16, #tpu.memory_space<vmem>>, vector<2000x64xbf16>,
    %swap3A_15 = arith.constant 0 : index
    %swap3A_16 = arith.constant 0 : index
    %swap3A_17 = vector.load %arg5[%swap3A_15, %swap3A_16] : memref<2000x1xf32, #tpu.memory_space<vmem>>, vector<2000x1xf32>
    tpu.vector_store %arg5[%swap3A_15, %swap3A_16], %rsqrt3A {strides = array<i32>} : memref<2000x1xf32, #tpu.memory_space<vmem>>, vector<2000x1xf32>,
    return
  }
  func.func @transform_0(%arg0: i32) -> (i32, i32) {
    %c0_i32 = arith.constant 0 : i32
    %c0_i32_0 = arith.constant 0 : i32
    return %arg0, %c0_i32 : i32, i32
  }
  func.func @transform_1(%arg0: i32) -> (i32, i32) {
    %c0_i32 = arith.constant 0 : i32
    %c0_i32_0 = arith.constant 0 : i32
    return %arg0, %c0_i32 : i32, i32
  }
  func.func @transform_2(%arg0: i32) -> (i32, i32) {
    %c0_i32 = arith.constant 0 : i32
    %c0_i32_0 = arith.constant 0 : i32
    return %arg0, %c0_i32 : i32, i32
  }
  func.func @transform_3(%arg0: i32) -> (i32, i32) {
    %c0_i32 = arith.constant 0 : i32
    %c0_i32_0 = arith.constant 0 : i32
    return %arg0, %c0_i32 : i32, i32
  }
  func.func @transform_4(%arg0: i32) -> (i32, i32) {
    %c0_i32 = arith.constant 0 : i32
    %c0_i32_0 = arith.constant 0 : i32
    return %arg0, %c0_i32 : i32, i32
  }
}

module attributes {stable_mosaic.version = 14 : i64} {
  func.func @_combine_body(%arg0: i32, %arg1: memref<2000x64xbf16, #tpu.memory_space<vmem>>, %arg2: memref<2000x64xbf16, #tpu.memory_space<vmem>>, %arg3: memref<2000x64xbf16, #tpu.memory_space<vmem>>, %arg4: memref<2000x64xbf16, #tpu.memory_space<vmem>>, %arg5: memref<2000x1xf32, #tpu.memory_space<vmem>>, %arg6: memref<1x64xf32, #tpu.memory_space<vmem>>, %arg7: memref<2000x64xf32, #tpu.memory_space<vmem>>) attributes {dimension_semantics = [#tpu.dimension_semantics<arbitrary>], iteration_bounds = array<i64: 5>, scalar_prefetch = 0 : i64, scratch_operands = 0 : i64, tpu.core_type = #tpu.core_type<tc>, window_params = [{transform_indices = @transform_0, window_bounds = array<i64: 2000, 64>}, {transform_indices = @transform_1, window_bounds = array<i64: 2000, 64>}, {transform_indices = @transform_2, window_bounds = array<i64: 2000, 64>}, {transform_indices = @transform_3, window_bounds = array<i64: 2000, 64>}, {transform_indices = @transform_4, window_bounds = array<i64: 2000, 1>}, {pipeline_mode = #tpu.pipeline_mode<synchronous>, transform_indices = @transform_5, window_bounds = array<i64: 1, 64>}, {transform_indices = @transform_6, window_bounds = array<i64: 2000, 64>}]} {
    %get3A = arith.constant 0 : index
    %get3A_0 = arith.constant 0 : index
    %get3A_1 = vector.load %arg1[%get3A, %get3A_0] : memref<2000x64xbf16, #tpu.memory_space<vmem>>, vector<2000x64xbf16>
    %convert_element_type3A = arith.extf %get3A_1 : vector<2000x64xbf16> to vector<2000x64xf32>
    %get3A_2 = arith.constant 0 : index
    %get3A_3 = arith.constant 0 : index
    %get3A_4 = vector.load %arg2[%get3A_2, %get3A_3] : memref<2000x64xbf16, #tpu.memory_space<vmem>>, vector<2000x64xbf16>
    %convert_element_type3A_5 = arith.extf %get3A_4 : vector<2000x64xbf16> to vector<2000x64xf32>
    %add3A = arith.addf %convert_element_type3A, %convert_element_type3A_5 : vector<2000x64xf32>
    %get3A_6 = arith.constant 0 : index
    %get3A_7 = arith.constant 0 : index
    %get3A_8 = vector.load %arg3[%get3A_6, %get3A_7] : memref<2000x64xbf16, #tpu.memory_space<vmem>>, vector<2000x64xbf16>
    %convert_element_type3A_9 = arith.extf %get3A_8 : vector<2000x64xbf16> to vector<2000x64xf32>
    %add3A_10 = arith.addf %add3A, %convert_element_type3A_9 : vector<2000x64xf32>
    %get3A_11 = arith.constant 0 : index
    %get3A_12 = arith.constant 0 : index
    %get3A_13 = vector.load %arg4[%get3A_11, %get3A_12] : memref<2000x64xbf16, #tpu.memory_space<vmem>>, vector<2000x64xbf16>
    %convert_element_type3A_14 = arith.extf %get3A_13 : vector<2000x64xbf16> to vector<2000x64xf32>
    %add3A_15 = arith.addf %add3A_10, %convert_element_type3A_14 : vector<2000x64xf32>
    %get3A_16 = arith.constant 0 : index
    %get3A_17 = arith.constant 0 : index
    %get3A_18 = vector.load %arg5[%get3A_16, %get3A_17] : memref<2000x1xf32, #tpu.memory_space<vmem>>, vector<2000x1xf32>
    %mul3A = vector.broadcast %get3A_18 : vector<2000x1xf32> to vector<2000x64xf32>
    %mul3A_19 = arith.mulf %mul3A, %add3A_15 : vector<2000x64xf32>
    %get3A_20 = arith.constant 0 : index
    %get3A_21 = arith.constant 0 : index
    %get3A_22 = vector.load %arg6[%get3A_20, %get3A_21] : memref<1x64xf32, #tpu.memory_space<vmem>>, vector<1x64xf32>
    %add3A_23 = vector.broadcast %get3A_22 : vector<1x64xf32> to vector<2000x64xf32>
    %add3A_24 = arith.addf %mul3A_19, %add3A_23 : vector<2000x64xf32>
    %swap3A = arith.constant 0 : index
    %swap3A_25 = arith.constant 0 : index
    %swap3A_26 = vector.load %arg7[%swap3A, %swap3A_25] : memref<2000x64xf32, #tpu.memory_space<vmem>>, vector<2000x64xf32>
    tpu.vector_store %arg7[%swap3A, %swap3A_25], %add3A_24 {strides = array<i32>} : memref<2000x64xf32, #tpu.memory_space<vmem>>, vector<2000x64xf32>,
    return
  }
  func.func @transform_0(%arg0: i32) -> (i32, i32) {
    %c0_i32 = arith.constant 0 : i32
    %c0_i32_0 = arith.constant 0 : i32
    return %arg0, %c0_i32 : i32, i32
  }
  func.func @transform_1(%arg0: i32) -> (i32, i32) {
    %c0_i32 = arith.constant 0 : i32
    %c0_i32_0 = arith.constant 0 : i32
    return %arg0, %c0_i32 : i32, i32
  }
  func.func @transform_2(%arg0: i32) -> (i32, i32) {
    %c0_i32 = arith.constant 0 : i32
    %c0_i32_0 = arith.constant 0 : i32
    return %arg0, %c0_i32 : i32, i32
  }
  func.func @transform_3(%arg0: i32) -> (i32, i32) {
    %c0_i32 = arith.constant 0 : i32
    %c0_i32_0 = arith.constant 0 : i32
    return %arg0, %c0_i32 : i32, i32
  }
  func.func @transform_4(%arg0: i32) -> (i32, i32) {
    %c0_i32 = arith.constant 0 : i32
    %c0_i32_0 = arith.constant 0 : i32
    return %arg0, %c0_i32 : i32, i32
  }
  func.func @transform_5(%arg0: i32) -> (i32, i32) {
    %c0_i32 = arith.constant 0 : i32
    %c0_i32_0 = arith.constant 0 : i32
    %c0_i32_1 = arith.constant 0 : i32
    return %c0_i32, %c0_i32_0 : i32, i32
  }
  func.func @transform_6(%arg0: i32) -> (i32, i32) {
    %c0_i32 = arith.constant 0 : i32
    %c0_i32_0 = arith.constant 0 : i32
    return %arg0, %c0_i32 : i32, i32
  }
}

</mosaic_0001>

<sc_bundles>
// kernel: kernel.11.cloned.1.call-start
scs
__scs_entry_jumppad:
0x0: {  	(pc) =	sbr.rel $0x88, $3  }
0x1: {  	(tag) =	ssettag $0x0;
	lr =	simm.s32 $0x1  }
0x2: {  	[smem:$0x3F9D] =	sst lr;
	_ =	strace $0xD0000000  }
0x3: {  	_ = 	snop  }
0x4: {  	_ = 	snop  }
0x5: {  	_ = 	snop  }
0x6: {  	_ = 	snop  }
0x7: {  	_ = 	snop  }
__scs_overlays_trampoline_lowered:
0x8: {  	[smem:$0x3FAC] =	sst s0  }
0x9: {  	[smem:$0x3FAD] =	sst s1  }
0xa: {  	[smem:$0x3FAE] =	sst s2  }
0xb: {  	[smem:$0x3FAF] =	sst s3  }
0xc: {  	[smem:$0x3FB0] =	sst s4  }
0xd: {  	[smem:$0x3FB1] =	sst s5  }
0xe: {  	[smem:$0x3FB2] =	sst s6  }
0xf: {  	[smem:$0x3FB3] =	sst s7  }
0x10: {  	[smem:$0x3FB4] =	sst s8  }
0x11: {  	[smem:$0x3FB5] =	sst s9;
	s0 =	simm.s32 @!p0 $0x0  }
0x12: {  	s1 =	sld [smem:$0x3F9B];
	s0 =	simm.s32 @p0 $0x1  }
0x13: {  	[smem:$0x3FB6] =	sst s0;
	s0 =	simm.s32 @!p1 $0x0  }
0x14: {  	s2 =	sld [smem:$0x3F9A];
	s0 =	simm.s32 @p1 $0x1  }
0x15: {  	[smem:$0x3FB7] =	sst s0;
	s0 =	simm.s32 @!p2 $0x0  }
0x16: {  	s3 =	sld [smem:$0x3FDB];
	s0 =	simm.s32 @p2 $0x1  }
0x17: {  	s4 =	simm.s32 $0x1BF5;
	[smem:$0x3FB9] =	sst s0  }
0x18: {  	s0 =	sld [smem:$0x3F9C];
	_ =	swait.ge [sflag:s4], $0x0  }
0x19: {  	s7 =	sld [smem:$0x3F9D]  }
0x1a: {  	s8 =	sadd.s32 $0xFFFFE003, lr  }
0x1b: {  	s9 =	sadd.s32 $0xFFFFFEF7, lr;
	s5 =	simm.s32 $0xFFFFFFFF;
	p2 =	slt.u32 s8, $0xFFFFF086  }
0x1c: {  	p1 =	slt.u32 s9, $0xF7A;
	s5 =	simm.s32 @!p2 $0x0  }
0x1d: {  	s5 =	simm.s32 @p1 $0x1;
	p0 =	seq.s32 s7, s2  }
0x1e: {  	s7 =	smul.u32 @!p0 $0xF7A, s2;
	p2 =	seq.s32 @!p0 s5, $0x0  }
0x1f: {  	s9 =	smul.u32 $0xF7A, s1;
	s8 =	simm.s32 @!p0 $0x1BF5;
	p2 =	por !p2, p0  }
0x20: {  	[sflag:s8] =	ssyncset.s32 @!p0 $0xFFFFF086;
	s6 =	sadd.s32 @!p0 s3, s7;
	s7 =	simm.s32 @!p0 $0x108  }
0x21: {  	s3 =	sadd.s32 s3, s9;
	s6 =	sadd.s32 @!p0 $0x88, s6;
	s7 =	simm.s32 @p2 $0x1082  }
0x22: {  	[simem:s7], [sflag:s8] =	dma.local @!p0 [hbm:s6], $0xF7A  }
0x23: {  	s9 =	sor.u32 $0xD0000000, s2;
	s6 =	simm.s32 $0x108;
	_ =	swait.ge @!p0 [sflag:s8], $0x0  }
0x24: {  	s3 =	sadd.s32 $0x88, s3;
	s6 =	simm.s32 @!p1 $0x1082;
	[sflag:s4] =	ssyncset.s32 $0xFFFFF086  }
0x25: {  	[simem:s6], [sflag:s4] =	dma.local [hbm:s3], $0xF7A  }
0x26: {  	[smem:$0x3F9D] =	sst s1;
	(tag) =	ssettag s2;
	_ =	strace s9  }
0x27: {  	s1 =	sld [smem:$0x3FAD]  }
0x28: {  	s2 =	sld [smem:$0x3FAE]  }
0x29: {  	s4 =	sld [smem:$0x3FB0]  }
0x2a: {  	p0 =	seq.s32 s5, $0x0;
	s5 =	sld [smem:$0x3FB1]  }
0x2b: {  	s6 =	sld [smem:$0x3FB2]  }
0x2c: {  	s7 =	sld [smem:$0x3FB3]  }
0x2d: {  	s3 =	simm.s32 $0x108;
	s8 =	sld [smem:$0x3FB4]  }
0x2e: {  	s3 =	simm.s32 @!p0 $0x1082;
	s9 =	sld [smem:$0x3FB5]  }
0x2f: {  	lr =	sadd.s32 s0, s3;
	s0 =	sld [smem:$0x3FAC]  }
0x30: {  	s3 =	sld [smem:$0x3FAF]  }
0x31: {  	[smem:$0x3FB8] =	sst s10  }
0x32: {  	s10 =	sld [smem:$0x3FB6];
	_ =	sdelay $0x3  }
0x33: {  	p0 =	seq.s32 s10, $0x1;
	s10 =	sld [smem:$0x3FB8];
	_ =	sdelay $0x3  }
0x34: {  	[smem:$0x3FB8] =	sst s10  }
0x35: {  	s10 =	sld [smem:$0x3FB7];
	_ =	sdelay $0x3  }
0x36: {  	p1 =	seq.s32 s10, $0x1;
	s10 =	sld [smem:$0x3FB8];
	_ =	sdelay $0x3  }
0x37: {  	[smem:$0x3FB8] =	sst s10  }
0x38: {  	s10 =	sld [smem:$0x3FB9]  }
0x39: {  	_ = 	snop;
	(pc) =	sbr.ind lr, $3  }
0x3a: {  	_ = 	snop  }
0x3b: {  	_ = 	snop  }
0x3c: {  	p2 =	seq.s32 s10, $0x1;
	s10 =	sld [smem:$0x3FB8]  }
0x3d: {  	_ =	shalt  }
0x3e: {  	_ =	shalt  }
0x3f: {  	_ =	shalt  }
0x40: {  	_ =	shalt  }
0x41: {  	_ =	shalt  }
0x42: {  	_ =	shalt  }
0x43: {  	_ =	shalt  }
0x44: {  	_ =	shalt  }
0x45: {  	_ =	shalt  }
0x46: {  	_ =	shalt  }
0x47: {  	_ =	shalt  }
0x48: {  	_ =	shalt  }
0x49: {  	_ =	shalt  }
0x4a: {  	_ =	shalt  }
0x4b: {  	_ =	shalt  }
0x4c: {  	_ =	shalt  }
0x4d: {  	_ =	shalt  }
0x4e: {  	_ =	shalt  }
0x4f: {  	_ =	shalt  }
0x50: {  	_ =	shalt  }
0x51: {  	_ =	shalt  }
0x52: {  	_ =	shalt  }
0x53: {  	_ =	shalt  }
0x54: {  	_ =	shalt  }
0x55: {  	_ =	shalt  }
0x56: {  	_ =	shalt  }
0x57: {  	_ =	shalt  }
0x58: {  	_ =	shalt  }
0x59: {  	_ =	shalt  }
0x5a: {  	_ =	shalt  }
0x5b: {  	_ =	shalt  }
0x5c: {  	_ =	shalt  }
0x5d: {  	_ =	shalt  }
0x5e: {  	_ =	shalt  }
0x5f: {  	_ =	shalt  }
0x60: {  	_ =	shalt  }
0x61: {  	_ =	shalt  }
0x62: {  	_ =	shalt  }
0x63: {  	_ =	shalt  }
0x64: {  	_ =	shalt  }
0x65: {  	_ =	shalt  }
0x66: {  	_ =	shalt  }
0x67: {  	_ =	shalt  }
0x68: {  	_ =	shalt  }
0x69: {  	_ =	shalt  }
0x6a: {  	_ =	shalt  }
0x6b: {  	_ =	shalt  }
0x6c: {  	_ =	shalt  }
0x6d: {  	_ =	shalt  }
0x6e: {  	_ =	shalt  }
0x6f: {  	_ =	shalt  }
0x70: {  	_ =	shalt  }
0x71: {  	_ =	shalt  }
0x72: {  	_ =	shalt  }
0x73: {  	_ =	shalt  }
0x74: {  	_ =	shalt  }
0x75: {  	_ =	shalt  }
0x76: {  	_ =	shalt  }
0x77: {  	_ =	shalt  }
0x78: {  	_ =	shalt  }
0x79: {  	_ =	shalt  }
0x7a: {  	_ =	shalt  }
0x7b: {  	_ =	shalt  }
0x7c: {  	_ =	shalt  }
0x7d: {  	_ =	shalt  }
0x7e: {  	_ =	shalt  }
0x7f: {  	_ =	shalt  }
0x80: {  	_ =	shalt  }
0x81: {  	_ =	shalt  }
0x82: {  	_ =	shalt  }
0x83: {  	_ =	shalt  }
0x84: {  	_ =	shalt  }
0x85: {  	_ =	shalt  }
0x86: {  	_ =	shalt  }
0x87: {  	_ =	shalt  }
.Lfunc_end0:
.L_simem_size_0:
called_computation.1_lowered:
.L_overlay_start_0:
0x88: {  	s2 =	sld [smem:$0x3FD9]  }
0x89: {  	s3 =	sld [smem:$0x3FFE];
	_ =	sdelay $0x1  }
0x8a: {  	s1 =	srdreg.scid  }
0x8b: {  	s0 =	sand.u32 $0x1, s1  }
0x8c: {  	s17 =	sshll.u32 s0, $0xA;
	s2 =	sadd.s32 s3, s2  }
0x8d: {  	s2 =	sadd.s32 s2, s17  }
0x8e: {  	[smem:$0x3FC4] =	sst s2  }
0x8f: {  	_ = 	snop  }
0x90: {  	s2 =	sld [smem:$0x3FD0];
	(tm) =	ssettm $0x1  }
0x91: {  	s18 =	sld [smem:$0x3FFB];
	_ =	sdelay $0x3  }
0x92: {  	_ =	strace s18  }
0x93: {  	s3 =	sld [smem:$0x3FFC];
	_ =	sdelay $0x3  }
0x94: {  	_ =	strace s3  }
0x95: {  	s3 =	sld [smem:$0x3FFD];
	_ =	sdelay $0x3  }
0x96: {  	_ =	strace s3  }
0x97: {  	_ =	strace $0x8FFFFFFF  }
0x98: {  	s19 =	sld [smem:$0x3FDB];
	_ =	sdelay $0x1  }
0x99: {  	s4 =	simm.s32 $_scs_section_size  }
0x9a: {  	s5 =	simm.s32 $_size__tile_overlayer_lowered;
	s6 =	simm.s32 $_tile_overlayer_lowered  }
0x9b: {  	s22 =	simm.s32 $0x1BFF;
	s21 =	sshll.u32 s6, $0x1;
	s3 =	sadd.s32 s4, s19  }
0x9c: {  	s7 =	simm.s32 $0x0;
	s20 =	sshll.u32 s5, $0x1;
	s5 =	sadd.s32 s21, s3  }
0x9d: {  	[timem:s7], [sflag:s22] =	dma.local [hbm:s5], s20  }
0x9e: {  	_ =	swait.ge [sflag:s22], s20  }
0x9f: {  	s4 =	ssub.s32 $0x0, s20;
	[sflag:s22] =	ssyncset.done $0x0  }
0xa0: {  	[sflag:s22] =	ssyncadd.s32 s4;
	_ =	sdelay $0x1  }
0xa1: {  	s23 =	simm.s32 $0x1B8B  }
0xa2: {  	_ =	swait.ge [sflag:s23], $0x1  }
0xa3: {  	[sflag:s23] =	ssyncset.done $0x0  }
0xa4: {  	s25 =	simm.s32 $0x1B8E;
	s24 =	sld [smem:$0x3FFE];
	[sflag:s23] =	ssyncadd.s32 $0xFFFFFFFF  }
0xa5: {  	s26 =	simm.s32 $execute0_lowered;
	[smem:$0x3FD2] =	sst s25  }
0xa6: {  	s5 =	sshll.u32 s26, $0x1;
	_ =	strace $0x80000049;
	[dreg:$0x1] =	wrdreg $0xFFFFFFFF  }
0xa7: {  	s28 =	simm.s32 $_size_execute0_lowered;
	s3 =	sadd.s32 s3, s5;
	[dreg:$0x0] =	wrdreg $0x0  }
0xa8: {  	s5 =	sshll.u32 s28, $0x1;
	[dreg:$0x2] =	wrdreg s3  }
0xa9: {  	[dreg:$0x3] =	wrdreg s5  }
0xaa: {  	[dreg:$0x4] =	wrdreg $0xC0  }
0xab: {  	_ =	task [dreg:s7], $0x5FFFF  }
0xac: {  	[dreg:$0x1] =	wrdreg $0xFFFFFFFF  }
0xad: {  	[dreg:$0x0] =	wrdreg $0x60  }
0xae: {  	[dreg:$0x2] =	wrdreg s24  }
0xaf: {  	[dreg:$0x3] =	wrdreg s2  }
0xb0: {  	[dreg:$0x4] =	wrdreg $0x0  }
0xb1: {  	[dreg:$0x5] =	wrdreg $0x50000  }
0xb2: {  	[dreg:$0x6] =	wrdreg $0x9  }
0xb3: {  	_ =	task.clear_ibuf [dreg:s7], $0x7FFFF;
	_ =	strace $0x90000049  }
0xb4: {  	s29 =	simm.s32 $0x9;
	_ =	strace $0x8000004B  }
0xb5: {  	_ =	swait.ge [sflag:s29], $0x1  }
0xb6: {  	[sflag:s29] =	ssyncadd.s32 $0xFFFFFFFF  }
0xb7: {  	_ =	strace $0x9000004B  }
0xb8: {  	_ =	sfence  }
0xb9: {  	s30 =	sld [smem:$0x0];
	_ =	sdelay $0x2  }
0xba: {  	s31 =	sshll.u32 s1, $0xD;
	s1 =	sshrl.u32 s1, $0x2  }
0xbb: {  	s3 =	sand.u32 $0x4000, s31;
	s1 =	sadd.s32 s1, s30  }
0xbc: {  	s0 =	sor.u32 s3, s0;
	s1 =	sshll.u32 s1, $0x11  }
0xbd: {  	s0 =	sor.u32 s1, s0  }
0xbe: {  	s0 =	sadd.s32 $0x8F2B, s0  }
0xbf: {  	[sflag:s0] =	ssyncadd.remote.s32 $0x1  }
0xc0: {  	_ =	sfence.sel $0xFFFF  }
0xc1: {  	[dreg:$0x0] =	wrdreg $0xFFFFFFFF;
	(pc) =	sbr.abs _section_cstart, $3  }
0xc2: {  	[dreg:$0x1] =	wrdreg $0xFFFFFFFF  }
0xc3: {  	_ =	task.clear_ibuf [dreg:s7], $0x2FFFF;
	_ =	strace $0x9FFFFFFF  }
0xc4: {  	(tm) =	ssettm $0x7FFFFFFF  }
0xc5: {  	_ =	shalt  }
tec
execute0_lowered:
.L_overlay_start_1:
0x0: {  	(tag) =	ssettag $0x1  }
0x1: {  	s1 =	rddreg [dreg:$0x0]  }
0x2: {  	s7 =	rddreg [dreg:$0x1];
	s3 =	srdreg.scid  }
0x3: {  	s0 =	stileid.u32;
	s2 =	rddreg [dreg:$0x2];
	s29 =	simm.s32 $0x10720  }
0x4: {  	s31 =	simm.s32 $0x12020;
	s30 =	simm.s32 $0x16B20;
	s28 =	simm.s32 $0x3  }
0x5: {  	s8 =	sand.u32 $0x1, s3;
	s4 =	sshll.u32 s0, $0x1;
	s3 =	rddreg [dreg:$0x3]  }
0x6: {  	s9 =	smul.u32 $0xA000, s0;
	p0 =	sne.s32 s0, $0xF;
	p2 =	seq.s32 s0, $0xF  }
0x7: {  	s25 =	sadd.s32 $0x4B000, s2;
	s15 =	smul.u32 $0x14000, s0;
	s5 =	sor.u32 s8, s4  }
0x8: {  	s4 =	simm.s32 $0x0;
	s13 =	ssub.s32 $0x2, s8;
	p1 =	seq.s32 s8, $0x0  }
0x9: {  	p5 =	sne.s32 s8, $0x0;
	s6 =	smul.u32 $0x4E2, s5;
	[smem:$0x7FF] =	sst s4  }
0xa: {  	s5 =	sadd.s32 $0x19C00, s1;
	s11 =	sshrl.u32 s9, $0x4;
	s14 =	sshrl.u32 s13, $0x1  }
0xb: {  	p3 =	por !p1, !p0;
	p4 =	por !p1, !p2;
	s26 =	sshrl.u32 s9, $0x1  }
0xc: {  	s18 =	sshrl.u32 s15, $0x2;
	s15 =	stileid.u32;
	_ =	strace $0x8000004A  }
0xd: {  	s12 =	sadd.s32 s11, s1;
	s13 =	ssub.s32 s13, s14;
	p1 =	por !p3, !p3  }
0xe: {  	p3 =	por !p4, !p4;
	[dreg:$0x5] =	wrdreg s25;
	s9 =	sadd.s32 s26, s2  }
0xf: {  	s17 =	sadd.s32 s5, s11;
	s16 =	sadd.s32 s18, s2;
	s7 =	sadd.s32 s7, s11  }
0x10: {  	s21 =	sadd.s32 s26, s3;
	s11 =	simm.s32 $0x8;
	s10 =	sadd.s32 s6, s1  }
0x11: {  	s6 =	sadd.s32 $0x19200, s1;
	s14 =	simm.s32 @!p3 $0x0;
	[dreg:$0x7] =	wrdreg s17  }
0x12: {  	s1 =	sadd.s32 $0x23200, s1;
	s17 =	sadd.s32 $0x4B000, s3;
	[dreg:$0xa] =	wrdreg s7  }
0x13: {  	s20 =	sadd.s32 $0x37A00, s12;
	[dreg:$0xc] =	wrdreg s21;
	s22 =	sadd.s32 $0x2DA00, s12  }
0x14: {  	s23 =	sadd.s32 $0x23A00, s12;
	s24 =	smax.u32 s13, $0x1;
	s21 =	simm.s32 $0x2  }
0x15: {  	s7 =	simm.s32 $0x5;
	s12 =	simm.s32 $0x6;
	[dreg:$0x6] =	wrdreg s1  }
0x16: {  	s13 =	simm.s32 $0x9;
	s14 =	simm.s32 @p3 $0x1;
	[dreg:$0xb] =	wrdreg s20  }
0x17: {  	p3 =	seq.s32 s8, $0x1;
	s1 =	sadd.s32 s18, s3;
	[dreg:$0xd] =	wrdreg s22  }
0x18: {  	s19 =	sadd.s32 $0xC600, s10;
	s10 =	sadd.s32 $0x2800, s10;
	[dreg:$0xe] =	wrdreg s23  }
0x19: {  	[dreg:$0xf] =	wrdreg s24;
	s26 =	sshrl.u32 s17, $0x3;
	s8 =	simm.s32 $0x13920  }
0x1a: {  	s22 =	simm.s32 $0x4;
	s20 =	simm.s32 $0x7;
	[smem:$0x7FC] =	sst s14  }
0x1b: {  	s17 =	simm.s32 $0xC;
	s0 =	simm.s32 @!p3 $0x0;
	[dreg:$0x8] =	wrdreg s19  }
0x1c: {  	p0 =	por !p0, !p3;
	[dreg:$0x9] =	wrdreg s10;
	s19 =	simm.s32 $0xD  }
.Ltmp0:
0x1d: {  	s25 =	sshrl.u32 s1, $0x3;
	[dreg:$0x12] =	wrdreg s26;
	(pc) =	sbr.rel .LBB2_1-.Ltmp0, $4  }
0x1e: {  	s26 =	simm.s32 $0xEE20;
	s10 =	simm.s32 $0x15220;
	s1 =	simm.s32 $0x1  }
0x1f: {  	s0 =	simm.s32 @p3 $0x1;
	p4 =	por !p0, !p0;
	[dreg:$0x11] =	wrdreg s25  }
0x20: {  	s14 =	simm.s32 $0xA;
	[smem:$0x7FD] =	sst s0;
	s0 =	sshrl.u32 @p4 s16, $0x3  }
0x21: {  	s25 =	simm.s32 $0xC8;
	s16 =	simm.s32 $0xB;
	[dreg:$0x10] =	wrdreg s0  }
.LBB2_12:
0x22: {  	_ =	swait.ge [sflag:s1], $0x1900  }
0x23: {  	[sflag:s1] =	ssyncset.done $0x0  }
0x24: {  	s0 =	simm.s32 $0xEC90;
	[sflag:s1] =	ssyncadd.s32 $0xFFFFE700  }
0x25: {  	[spmem:s2] =	stream.indirect.scatter.add.bf16 [tilespmem:s26], [sflag:$0x7], $0x20, s0, s25, $0xb8;
	[tilespmem:$0x18420] =	vst v63  }
0x26: {  	_ =	swait.ge [sflag:s21], $0x1900  }
0x27: {  	[sflag:s21] =	ssyncset.done $0x0  }
0x28: {  	s23 =	simm.s32 $0xED58;
	[sflag:s21] =	ssyncadd.s32 $0xFFFFE700  }
0x29: {  	[spmem:s3] =	stream.indirect.scatter.add.bf16 [tilespmem:s29], [sflag:$0x8], $0x20, s23, s25, $0xb8;
	[tilespmem:$0x18420] =	vst v63  }
0x2a: {  	_ =	swait.ge [sflag:s13], $0x1900  }
0x2b: {  	[sflag:s13] =	ssyncset.done $0x0  }
0x2c: {  	[sflag:s13] =	ssyncadd.s32 $0xFFFFE700  }
0x2d: {  	_ =	swait.ge [sflag:s14], $0x1900  }
0x2e: {  	[sflag:s14] =	ssyncset.done $0x0  }
0x2f: {  	[sflag:s14] =	ssyncadd.s32 $0xFFFFE700  }
0x30: {  	_ =	swait.ge [sflag:s16], $0x1900  }
0x31: {  	[sflag:s16] =	ssyncset.done $0x0  }
0x32: {  	[sflag:s16] =	ssyncadd.s32 $0xFFFFE700  }
0x33: {  	_ =	swait.ge [sflag:s17], $0x1900  }
0x34: {  	[sflag:s17] =	ssyncset.done $0x0  }
0x35: {  	[sflag:s17] =	ssyncadd.s32 $0xFFFFE700  }
0x36: {  	_ =	swait.ge [sflag:s20], $0x1900  }
0x37: {  	[sflag:s20] =	ssyncset.done $0x0  }
0x38: {  	[sflag:s20] =	ssyncadd.s32 $0xFFFFE700  }
0x39: {  	_ =	swait.ge [sflag:s11], $0x1900  }
0x3a: {  	[sflag:s11] =	ssyncset.done $0x0  }
0x3b: {  	[sflag:s11] =	ssyncadd.s32 $0xFFFFE700  }
0x3c: {  	s18 =	sshll.u32 @!p5 s15, $0x6;
	[bflag:$0x0] =	sbarrier.arrive $0xFFFF  }
0x3d: {  	s18 =	sor.u32 @!p5 $0x1C0D, s18;
	s23 =	sshrl.u32 @!p5 s9, $0x3;
	s24 =	rddreg [dreg:$0xa]  }
0x3e: {  	[hbm:s24], [sflag:s18] =	dma.local @!p5 [spmem:s23], $0xA00  }
0x3f: {  	s23 =	simm.s32 @!p5 $0xD  }
0x40: {  	_ =	swait.ge @!p5 [sflag:s23], $0xA00  }
0x41: {  	[sflag:s23] =	ssyncset.done @!p5 $0x0;
	s0 =	rddreg [dreg:$0xc]  }
0x42: {  	s15 =	rddreg [dreg:$0xb];
	[sflag:s23] =	ssyncadd.s32 @!p5 $0xFFFFF600;
	s24 =	sshrl.u32 @!p5 s0, $0x3  }
0x43: {  	[hbm:s15], [sflag:s18] =	dma.local @!p5 [spmem:s24], $0xA00  }
0x44: {  	s15 =	stileid.u32  }
0x45: {  	_ =	swait.ge @!p5 [sflag:s23], $0xA00;
	s18 =	sshll.u32 @p6 s15, $0x6  }
0x46: {  	[sflag:s23] =	ssyncset.done @!p5 $0x0;
	s18 =	sor.u32 @p6 $0x1C0D, s18  }
0x47: {  	s24 =	rddreg [dreg:$0xd];
	[sflag:s23] =	ssyncadd.s32 @!p5 $0xFFFFF600;
	s23 =	sshrl.u32 @p6 s9, $0x3  }
0x48: {  	[hbm:s24], [sflag:s18] =	dma.local @p6 [spmem:s23], $0xA00  }
0x49: {  	s23 =	simm.s32 @p6 $0xD  }
0x4a: {  	_ =	swait.ge @p6 [sflag:s23], $0xA00  }
0x4b: {  	[sflag:s23] =	ssyncset.done @p6 $0x0  }
0x4c: {  	s24 =	sshrl.u32 @p6 s0, $0x3;
	s0 =	rddreg [dreg:$0xe];
	[sflag:s23] =	ssyncadd.s32 @p6 $0xFFFFF600  }
0x4d: {  	[hbm:s0], [sflag:s18] =	dma.local @p6 [spmem:s24], $0xA00  }
0x4e: {  	_ =	swait.ge @p6 [sflag:s23], $0xA00  }
0x4f: {  	s4 =	sadd.s32 $0x1, s4;
	s24 =	rddreg [dreg:$0xf]  }
0x50: {  	p0 =	sne.s32 s4, s24  }
.Ltmp1:
0x51: {  	_ = 	snop;
	(pc) =	sbr.rel @!p0 .LBB2_13-.Ltmp1, $3  }
0x52: {  	_ =	sdelay $0x1  }
0x53: {  	[sflag:s23] =	ssyncset.done @p6 $0x0  }
0x54: {  	[sflag:s23] =	ssyncadd.s32 @p6 $0xFFFFF600  }
.LBB2_1:
.Ltmp2:
0x55: {  	(pc) =	sbr.rel @!p1 .LBB2_5-.Ltmp2, $3  }
0x56: {  	_ =	sdelay $0x1  }
0x57: {  	s18 =	sshll.u32 s15, $0x6  }
0x58: {  	s18 =	sor.u32 $0x1C0D, s18  }
.Ltmp3:
0x59: {  	s23 =	sshrl.u32 s9, $0x3;
	s24 =	rddreg [dreg:$0x7];
	(pc) =	sbr.rel .LBB2_3-.Ltmp3, $4  }
0x5a: {  	[spmem:s23], [sflag:s18] =	dma.local [hbm:s24], $0xA00  }
0x5b: {  	_ =	swait.ge [sflag:s19], $0xA00  }
0x5c: {  	[sflag:s19] =	ssyncset.done $0x0  }
0x5d: {  	p0 =	por $0x0, $0x0;
	[sflag:s19] =	ssyncadd.s32 $0xFFFFF600  }
.LBB2_5:
0x5e: {  	s0 =	sld [smem:$0x7FC];
	_ =	sdelay $0x2  }
0x5f: {  	p3 =	seq.s32 s0, $0x1  }
.Ltmp4:
0x60: {  	_ = 	snop;
	(pc) =	sbr.rel @!p3 .LBB2_3-.Ltmp4, $2  }
0x61: {  	_ =	sdelay $0x2  }
0x62: {  	p0 =	por p2, p2  }
0x63: {  	s23 =	rddreg [dreg:$0x5]  }
0x64: {  	s24 =	rddreg [dreg:$0x6]  }
.Ltmp5:
0x65: {  	s0 =	simm.s32 $0x1FCD;
	s23 =	sshrl.u32 s23, $0x3;
	(pc) =	sbr.rel .LBB2_8-.Ltmp5, $4  }
0x66: {  	[spmem:s23], [sflag:s0] =	dma.local [hbm:s24], $0x640  }
0x67: {  	_ =	swait.ge [sflag:s19], $0x640  }
0x68: {  	[sflag:s19] =	ssyncset.done $0x0  }
0x69: {  	p6 =	por $0x0, $0x0;
	[sflag:s19] =	ssyncadd.s32 $0xFFFFF9C0  }
.LBB2_3:
0x6a: {  	s23 =	sshll.u32 @p4 s15, $0x6  }
0x6b: {  	s0 =	rddreg [dreg:$0x10];
	s23 =	sor.u32 @p4 $0x1C0D, s23  }
0x6c: {  	[spmem:s0], [sflag:s23] =	dma.local @p4 [hbm:s6], $0xA00  }
0x6d: {  	s0 =	sld [smem:$0x7FD];
	_ =	sdelay $0x2  }
0x6e: {  	p6 =	por @p4 $0x1, $0x1;
	p3 =	seq.s32 s0, $0x1  }
0x6f: {  	p6 =	por @!p4 p3, p3  }
0x70: {  	s23 =	simm.s32 @p4 $0xD;
	p3 =	por !p6, !p0  }
0x71: {  	_ =	swait.ge @p4 [sflag:s23], $0xA00;
	p3 =	por !p3, !p3  }
0x72: {  	[sflag:s23] =	ssyncset.done @p4 $0x0;
	s24 =	sshll.u32 @p3 s15, $0x6  }
0x73: {  	[sflag:s23] =	ssyncadd.s32 @p4 $0xFFFFF600;
	s23 =	sor.u32 @p3 $0x1C0D, s24;
	s24 =	rddreg [dreg:$0x5]  }
0x74: {  	s24 =	sshrl.u32 @p3 s24, $0x3  }
0x75: {  	[spmem:s24], [sflag:s23] =	dma.local @p3 [hbm:s6], $0x640  }
.Ltmp6:
0x76: {  	_ = 	snop;
	(pc) =	sbr.rel @p2 .LBB2_7-.Ltmp6, $4  }
0x77: {  	s23 =	simm.s32 @p3 $0xD  }
0x78: {  	_ =	swait.ge @p3 [sflag:s23], $0x640  }
0x79: {  	[sflag:s23] =	ssyncset.done @p3 $0x0  }
0x7a: {  	[sflag:s23] =	ssyncadd.s32 @p3 $0xFFFFF9C0  }
0x7b: {  	s0 =	rddreg [dreg:$0x11]  }
0x7c: {  	[spmem:s0], [sflag:s18] =	dma.local [hbm:s6], $0xA00  }
.Ltmp7:
0x7d: {  	_ = 	snop;
	(pc) =	sbr.rel @p0 .LBB2_8-.Ltmp7, $4  }
.Ltmp8:
0x7e: {  	_ = 	snop;
	(pc) =	sbr.rel @!p0 .LBB2_9-.Ltmp8, $4  }
0x7f: {  	_ =	swait.ge [sflag:s19], $0xA00  }
0x80: {  	[sflag:s19] =	ssyncset.done $0x0  }
0x81: {  	[sflag:s19] =	ssyncadd.s32 $0xFFFFF600  }
0x82: {  	_ = 	snop  }
.LBB2_7:
.Ltmp9:
0x83: {  	(pc) =	sbr.rel @!p0 .LBB2_9-.Ltmp9, $1  }
0x84: {  	_ =	sdelay $0x3  }
.LBB2_8:
0x85: {  	s0 =	rddreg [dreg:$0x12]  }
0x86: {  	[spmem:s0], [sflag:s18] =	dma.local [hbm:s6], $0x640  }
0x87: {  	_ =	swait.ge [sflag:s19], $0x640  }
0x88: {  	[sflag:s19] =	ssyncset.done $0x0  }
0x89: {  	[sflag:s19] =	ssyncadd.s32 $0xFFFFF9C0  }
.LBB2_9:
0x8a: {  	s18 =	simm.s32 $0x0;
	s23 =	rddreg [dreg:$0x8];
	s0 =	simm.s32 $0xA000  }
0x8b: {  	[tilespmem:s0], [sflag:$0xD] =	stream.linear.gather [hbm4b:s23+s18], $0x2710, $0x38;
	[tilespmem:$0x18420] =	vst v63  }
0x8c: {  	_ =	swait.ge [sflag:s19], $0x2710  }
0x8d: {  	[sflag:s19] =	ssyncset.done $0x0  }
0x8e: {  	s24 =	simm.s32 $0xC710;
	s23 =	rddreg [dreg:$0x9];
	[sflag:s19] =	ssyncadd.s32 $0xFFFFD8F0  }
0x8f: {  	[tilespmem:s24], [sflag:$0xD] =	stream.linear.gather [hbm4b:s23+s18], $0x2710, $0x38;
	[tilespmem:$0x18420] =	vst v63  }
0x90: {  	_ =	swait.ge [sflag:s19], $0x2710  }
0x91: {  	[sflag:s19] =	ssyncset.done $0x0  }
0x92: {  	[sflag:s19] =	ssyncadd.s32 $0xFFFFD8F0  }
0x93: {  	[bflag:$0x0] =	sbarrier.arrive $0xFFFF  }
0x94: {  	[tilespmem:s26], [sflag:$0x1] =	stream.indirect.gather [hbm4b:s5+s25], $0x20, s0, s25, $0xb8;
	[tilespmem:$0x18420] =	vst v63  }
0x95: {  	s23 =	simm.s32 $0xA0C8  }
0x96: {  	[tilespmem:s29], [sflag:$0x2] =	stream.indirect.gather [hbm4b:s5+s25], $0x20, s23, s25, $0xb8;
	[tilespmem:$0x18420] =	vst v63  }
0x97: {  	s23 =	simm.s32 $0xA190  }
0x98: {  	[tilespmem:s31], [sflag:$0x3] =	stream.indirect.gather [hbm4b:s5+s25], $0x20, s23, s25, $0xb8;
	[tilespmem:$0x18420] =	vst v63  }
0x99: {  	s23 =	simm.s32 $0xA258  }
0x9a: {  	[tilespmem:s8], [sflag:$0x4] =	stream.indirect.gather [hbm4b:s5+s25], $0x20, s23, s25, $0xb8;
	[tilespmem:$0x18420] =	vst v63  }
0x9b: {  	s23 =	simm.s32 $0xA320  }
0x9c: {  	[tilespmem:s10], [sflag:$0x5] =	stream.indirect.gather [hbm4b:s5+s25], $0x20, s23, s25, $0xb8;
	[tilespmem:$0x18420] =	vst v63  }
0x9d: {  	s23 =	simm.s32 $0xA3E8  }
0x9e: {  	[tilespmem:s30], [sflag:$0x6] =	stream.indirect.gather [hbm4b:s5+s25], $0x20, s23, s25, $0xb8;
	[tilespmem:$0x18420] =	vst v63  }
0x9f: {  	_ =	swait.ge [sflag:s1], $0x1900  }
0xa0: {  	[sflag:s1] =	ssyncset.done $0x0  }
0xa1: {  	[sflag:s1] =	ssyncadd.s32 $0xFFFFE700  }
0xa2: {  	[spmem:s2] =	stream.indirect.scatter.add.bf16 [tilespmem:s26], [sflag:$0x7], $0x20, s24, s25, $0xb8;
	[tilespmem:$0x18420] =	vst v63  }
0xa3: {  	_ =	swait.ge [sflag:s21], $0x1900  }
0xa4: {  	[sflag:s21] =	ssyncset.done $0x0  }
0xa5: {  	s23 =	simm.s32 $0xC7D8;
	[sflag:s21] =	ssyncadd.s32 $0xFFFFE700  }
0xa6: {  	[spmem:s3] =	stream.indirect.scatter.add.bf16 [tilespmem:s29], [sflag:$0x8], $0x20, s23, s25, $0xb8;
	[tilespmem:$0x18420] =	vst v63  }
0xa7: {  	_ =	swait.ge [sflag:s28], $0x1900  }
0xa8: {  	[sflag:s28] =	ssyncset.done $0x0  }
0xa9: {  	s24 =	simm.s32 $0xC8A0;
	[sflag:s28] =	ssyncadd.s32 $0xFFFFE700  }
0xaa: {  	[spmem:s2] =	stream.indirect.scatter.add.bf16 [tilespmem:s31], [sflag:$0x9], $0x20, s24, s25, $0xb8;
	[tilespmem:$0x18420] =	vst v63  }
0xab: {  	_ =	swait.ge [sflag:s22], $0x1900  }
0xac: {  	[sflag:s22] =	ssyncset.done $0x0  }
0xad: {  	s23 =	simm.s32 $0xC968;
	[sflag:s22] =	ssyncadd.s32 $0xFFFFE700  }
0xae: {  	[spmem:s3] =	stream.indirect.scatter.add.bf16 [tilespmem:s8], [sflag:$0xA], $0x20, s23, s25, $0xb8;
	[tilespmem:$0x18420] =	vst v63  }
0xaf: {  	_ =	swait.ge [sflag:s20], $0x1900  }
0xb0: {  	[sflag:s20] =	ssyncset.done $0x0  }
0xb1: {  	s24 =	simm.s32 $0xA4B0;
	[sflag:s20] =	ssyncadd.s32 $0xFFFFE700  }
0xb2: {  	[tilespmem:s26], [sflag:$0x1] =	stream.indirect.gather [hbm4b:s5+s25], $0x20, s24, s25, $0xb8;
	[tilespmem:$0x18420] =	vst v63  }
0xb3: {  	_ =	swait.ge [sflag:s7], $0x1900  }
0xb4: {  	[sflag:s7] =	ssyncset.done $0x0  }
0xb5: {  	s23 =	simm.s32 $0xCA30;
	[sflag:s7] =	ssyncadd.s32 $0xFFFFE700  }
0xb6: {  	[spmem:s2] =	stream.indirect.scatter.add.bf16 [tilespmem:s10], [sflag:$0xB], $0x20, s23, s25, $0xb8;
	[tilespmem:$0x18420] =	vst v63  }
0xb7: {  	_ =	swait.ge [sflag:s11], $0x1900  }
0xb8: {  	[sflag:s11] =	ssyncset.done $0x0  }
0xb9: {  	s24 =	simm.s32 $0xA578;
	[sflag:s11] =	ssyncadd.s32 $0xFFFFE700  }
0xba: {  	[tilespmem:s29], [sflag:$0x2] =	stream.indirect.gather [hbm4b:s5+s25], $0x20, s24, s25, $0xb8;
	[tilespmem:$0x18420] =	vst v63  }
0xbb: {  	_ =	swait.ge [sflag:s12], $0x1900  }
0xbc: {  	[sflag:s12] =	ssyncset.done $0x0  }
0xbd: {  	s23 =	simm.s32 $0xCAF8;
	[sflag:s12] =	ssyncadd.s32 $0xFFFFE700  }
0xbe: {  	[spmem:s3] =	stream.indirect.scatter.add.bf16 [tilespmem:s30], [sflag:$0xC], $0x20, s23, s25, $0xb8;
	[tilespmem:$0x18420] =	vst v63  }
0xbf: {  	_ =	swait.ge [sflag:s13], $0x1900  }
0xc0: {  	[sflag:s13] =	ssyncset.done $0x0  }
0xc1: {  	s24 =	simm.s32 $0xA640;
	[sflag:s13] =	ssyncadd.s32 $0xFFFFE700  }
0xc2: {  	[tilespmem:s31], [sflag:$0x3] =	stream.indirect.gather [hbm4b:s5+s25], $0x20, s24, s25, $0xb8;
	[tilespmem:$0x18420] =	vst v63  }
.LBB2_10:
0xc3: {  	_ =	swait.ge [sflag:s1], $0x1900  }
0xc4: {  	s23 =	sshra.s32 s18, $0x2;
	[sflag:s1] =	ssyncset.done $0x0  }
0xc5: {  	s24 =	sadd.s32 $0xCBC0, s23;
	[sflag:s1] =	ssyncadd.s32 $0xFFFFE700  }
0xc6: {  	[spmem:s2] =	stream.indirect.scatter.add.bf16 [tilespmem:s26], [sflag:$0x7], $0x20, s24, s25, $0xb8;
	[tilespmem:$0x18420] =	vst v63  }
0xc7: {  	_ =	swait.ge [sflag:s14], $0x1900  }
0xc8: {  	[sflag:s14] =	ssyncset.done $0x0  }
0xc9: {  	s0 =	sadd.s32 $0xA708, s23;
	[sflag:s14] =	ssyncadd.s32 $0xFFFFE700  }
0xca: {  	[tilespmem:s8], [sflag:$0x4] =	stream.indirect.gather [hbm4b:s5+s25], $0x20, s0, s25, $0xb8;
	[tilespmem:$0x18420] =	vst v63  }
0xcb: {  	_ =	swait.ge [sflag:s21], $0x1900  }
0xcc: {  	[sflag:s21] =	ssyncset.done $0x0  }
0xcd: {  	s0 =	sadd.s32 $0xCC88, s23;
	[sflag:s21] =	ssyncadd.s32 $0xFFFFE700  }
0xce: {  	[spmem:s3] =	stream.indirect.scatter.add.bf16 [tilespmem:s29], [sflag:$0x8], $0x20, s0, s25, $0xb8;
	[tilespmem:$0x18420] =	vst v63  }
0xcf: {  	_ =	swait.ge [sflag:s16], $0x1900  }
0xd0: {  	[sflag:s16] =	ssyncset.done $0x0  }
0xd1: {  	s0 =	sadd.s32 $0xA7D0, s23;
	[sflag:s16] =	ssyncadd.s32 $0xFFFFE700  }
0xd2: {  	[tilespmem:s10], [sflag:$0x5] =	stream.indirect.gather [hbm4b:s5+s25], $0x20, s0, s25, $0xb8;
	[tilespmem:$0x18420] =	vst v63  }
0xd3: {  	_ =	swait.ge [sflag:s28], $0x1900  }
0xd4: {  	[sflag:s28] =	ssyncset.done $0x0  }
0xd5: {  	s0 =	sadd.s32 $0xCD50, s23;
	[sflag:s28] =	ssyncadd.s32 $0xFFFFE700  }
0xd6: {  	[spmem:s2] =	stream.indirect.scatter.add.bf16 [tilespmem:s31], [sflag:$0x9], $0x20, s0, s25, $0xb8;
	[tilespmem:$0x18420] =	vst v63  }
0xd7: {  	_ =	swait.ge [sflag:s17], $0x1900  }
0xd8: {  	[sflag:s17] =	ssyncset.done $0x0  }
0xd9: {  	s0 =	sadd.s32 $0xA898, s23;
	[sflag:s17] =	ssyncadd.s32 $0xFFFFE700  }
0xda: {  	[tilespmem:s30], [sflag:$0x6] =	stream.indirect.gather [hbm4b:s5+s25], $0x20, s0, s25, $0xb8;
	[tilespmem:$0x18420] =	vst v63  }
0xdb: {  	_ =	swait.ge [sflag:s22], $0x1900  }
0xdc: {  	[sflag:s22] =	ssyncset.done $0x0  }
0xdd: {  	s0 =	sadd.s32 $0xCE18, s23;
	[sflag:s22] =	ssyncadd.s32 $0xFFFFE700  }
0xde: {  	[spmem:s3] =	stream.indirect.scatter.add.bf16 [tilespmem:s8], [sflag:$0xA], $0x20, s0, s25, $0xb8;
	[tilespmem:$0x18420] =	vst v63  }
0xdf: {  	_ =	swait.ge [sflag:s20], $0x1900  }
0xe0: {  	[sflag:s20] =	ssyncset.done $0x0  }
0xe1: {  	s0 =	sadd.s32 $0xA960, s23;
	[sflag:s20] =	ssyncadd.s32 $0xFFFFE700  }
0xe2: {  	[tilespmem:s26], [sflag:$0x1] =	stream.indirect.gather [hbm4b:s5+s25], $0x20, s0, s25, $0xb8;
	[tilespmem:$0x18420] =	vst v63  }
0xe3: {  	_ =	swait.ge [sflag:s7], $0x1900  }
0xe4: {  	[sflag:s7] =	ssyncset.done $0x0  }
0xe5: {  	s0 =	sadd.s32 $0xCEE0, s23;
	[sflag:s7] =	ssyncadd.s32 $0xFFFFE700  }
0xe6: {  	[spmem:s2] =	stream.indirect.scatter.add.bf16 [tilespmem:s10], [sflag:$0xB], $0x20, s0, s25, $0xb8;
	[tilespmem:$0x18420] =	vst v63  }
0xe7: {  	_ =	swait.ge [sflag:s11], $0x1900  }
0xe8: {  	[sflag:s11] =	ssyncset.done $0x0  }
0xe9: {  	p0 =	seq.s32 s18, $0x7080;
	s0 =	sadd.s32 $0xAA28, s23;
	[sflag:s11] =	ssyncadd.s32 $0xFFFFE700  }
0xea: {  	[tilespmem:s29], [sflag:$0x2] =	stream.indirect.gather [hbm4b:s5+s25], $0x20, s0, s25, $0xb8;
	[tilespmem:$0x18420] =	vst v63  }
.Ltmp10:
0xeb: {  	_ = 	snop;
	(pc) =	sbr.rel @p0 .LBB2_12-.Ltmp10, $4  }
0xec: {  	_ =	swait.ge [sflag:s12], $0x1900  }
0xed: {  	[sflag:s12] =	ssyncset.done $0x0  }
0xee: {  	s0 =	sadd.s32 $0xCFA8, s23;
	[sflag:s12] =	ssyncadd.s32 $0xFFFFE700  }
0xef: {  	[spmem:s3] =	stream.indirect.scatter.add.bf16 [tilespmem:s30], [sflag:$0xC], $0x20, s0, s25, $0xb8;
	[tilespmem:$0x18420] =	vst v63  }
.Ltmp11:
0xf0: {  	(pc) =	sbr.rel .LBB2_10-.Ltmp11, $4  }
0xf1: {  	_ =	swait.ge [sflag:s13], $0x1900  }
0xf2: {  	[sflag:s13] =	ssyncset.done $0x0  }
0xf3: {  	s23 =	sadd.s32 $0xAAF0, s23;
	s18 =	sadd.s32 $0x12C0, s18;
	[sflag:s13] =	ssyncadd.s32 $0xFFFFE700  }
0xf4: {  	[tilespmem:s31], [sflag:$0x3] =	stream.indirect.gather [hbm4b:s5+s25], $0x20, s23, s25, $0xb8;
	[tilespmem:$0x18420] =	vst v63  }
.LBB2_13:
0xf5: {  	_ =	sfence.sel $0x180000  }
0xf6: {  	[bflag:$0x0] =	sbarrier.arrive $0xFFFF  }
0xf7: {  	_ =	strace $0x9000004A  }
0xf8: {  	[bflag:$0x2] =	sbarrier.arrive $0xFFFF  }
0xf9: {  	p0 =	sne.s32 s15, $0x0;
	s0 =	rddreg [dreg:$0x4]  }
0xfa: {  	s0 =	sadd.s32 @!p0 $0x100000, s0  }
0xfb: {  	[sflag:s0] =	ssyncadd.tile.s32 @!p0 $0x1;
	_ =	shalt  }
.Lfunc_end2:
_tile_overlayer_lowered:
.L_overlay_start_2:
0xfc: {  	(tag) =	ssettag $0x2  }
0xfd: {  	s0 =	rddreg [dreg:$0x0];
	s2 =	stileid.u32  }
0xfe: {  	s1 =	rddreg [dreg:$0x1];
	p0 =	sne.s32 s2, $0x0  }
0xff: {  	s3 =	rddreg [dreg:$0x2];
	[bflag:$0x3] =	sbarrier.arrive $0xFFFF;
	s2 =	simm.s32 @!p0 $0x1C0D  }
0x100: {  	[timem:s3], [sflag:s2] =	dma.local @!p0 [hbm:s0], s1  }
0x101: {  	s0 =	simm.s32 @!p0 $0xD  }
0x102: {  	_ =	swait.ge @!p0 [sflag:s0], s1  }
0x103: {  	s1 =	ssub.s32 @!p0 $0x0, s1;
	[sflag:s0] =	ssyncset.done @!p0 $0x0  }
0x104: {  	[sflag:s0] =	ssyncadd.s32 @!p0 s1  }
0x105: {  	[bflag:$0x3] =	sbarrier.arrive $0xFFFF  }
0x106: {  	_ =	shalt  }

// kernel: kernel.8.cloned.1.call-start
scs
__scs_entry_jumppad:
0x0: {  	(pc) =	sbr.rel $0x88, $3  }
0x1: {  	(tag) =	ssettag $0x0;
	lr =	simm.s32 $0x1  }
0x2: {  	[smem:$0x3F9D] =	sst lr;
	_ =	strace $0xD0000000  }
0x3: {  	_ = 	snop  }
0x4: {  	_ = 	snop  }
0x5: {  	_ = 	snop  }
0x6: {  	_ = 	snop  }
0x7: {  	_ = 	snop  }
__scs_overlays_trampoline_lowered:
0x8: {  	[smem:$0x3FAC] =	sst s0  }
0x9: {  	[smem:$0x3FAD] =	sst s1  }
0xa: {  	[smem:$0x3FAE] =	sst s2  }
0xb: {  	[smem:$0x3FAF] =	sst s3  }
0xc: {  	[smem:$0x3FB0] =	sst s4  }
0xd: {  	[smem:$0x3FB1] =	sst s5  }
0xe: {  	[smem:$0x3FB2] =	sst s6  }
0xf: {  	[smem:$0x3FB3] =	sst s7  }
0x10: {  	[smem:$0x3FB4] =	sst s8  }
0x11: {  	[smem:$0x3FB5] =	sst s9;
	s0 =	simm.s32 @!p0 $0x0  }
0x12: {  	s1 =	sld [smem:$0x3F9B];
	s0 =	simm.s32 @p0 $0x1  }
0x13: {  	[smem:$0x3FB6] =	sst s0;
	s0 =	simm.s32 @!p1 $0x0  }
0x14: {  	s2 =	sld [smem:$0x3F9A];
	s0 =	simm.s32 @p1 $0x1  }
0x15: {  	[smem:$0x3FB7] =	sst s0;
	s0 =	simm.s32 @!p2 $0x0  }
0x16: {  	s3 =	sld [smem:$0x3FDB];
	s0 =	simm.s32 @p2 $0x1  }
0x17: {  	s4 =	simm.s32 $0x1BF5;
	[smem:$0x3FB9] =	sst s0  }
0x18: {  	s0 =	sld [smem:$0x3F9C];
	_ =	swait.ge [sflag:s4], $0x0  }
0x19: {  	s7 =	sld [smem:$0x3F9D]  }
0x1a: {  	s8 =	sadd.s32 $0xFFFFE003, lr  }
0x1b: {  	s9 =	sadd.s32 $0xFFFFFEF7, lr;
	s5 =	simm.s32 $0xFFFFFFFF;
	p2 =	slt.u32 s8, $0xFFFFF086  }
0x1c: {  	p1 =	slt.u32 s9, $0xF7A;
	s5 =	simm.s32 @!p2 $0x0  }
0x1d: {  	s5 =	simm.s32 @p1 $0x1;
	p0 =	seq.s32 s7, s2  }
0x1e: {  	s7 =	smul.u32 @!p0 $0xF7A, s2;
	p2 =	seq.s32 @!p0 s5, $0x0  }
0x1f: {  	s9 =	smul.u32 $0xF7A, s1;
	s8 =	simm.s32 @!p0 $0x1BF5;
	p2 =	por !p2, p0  }
0x20: {  	[sflag:s8] =	ssyncset.s32 @!p0 $0xFFFFF086;
	s6 =	sadd.s32 @!p0 s3, s7;
	s7 =	simm.s32 @!p0 $0x108  }
0x21: {  	s3 =	sadd.s32 s3, s9;
	s6 =	sadd.s32 @!p0 $0x88, s6;
	s7 =	simm.s32 @p2 $0x1082  }
0x22: {  	[simem:s7], [sflag:s8] =	dma.local @!p0 [hbm:s6], $0xF7A  }
0x23: {  	s9 =	sor.u32 $0xD0000000, s2;
	s6 =	simm.s32 $0x108;
	_ =	swait.ge @!p0 [sflag:s8], $0x0  }
0x24: {  	s3 =	sadd.s32 $0x88, s3;
	s6 =	simm.s32 @!p1 $0x1082;
	[sflag:s4] =	ssyncset.s32 $0xFFFFF086  }
0x25: {  	[simem:s6], [sflag:s4] =	dma.local [hbm:s3], $0xF7A  }
0x26: {  	[smem:$0x3F9D] =	sst s1;
	(tag) =	ssettag s2;
	_ =	strace s9  }
0x27: {  	s1 =	sld [smem:$0x3FAD]  }
0x28: {  	s2 =	sld [smem:$0x3FAE]  }
0x29: {  	s4 =	sld [smem:$0x3FB0]  }
0x2a: {  	p0 =	seq.s32 s5, $0x0;
	s5 =	sld [smem:$0x3FB1]  }
0x2b: {  	s6 =	sld [smem:$0x3FB2]  }
0x2c: {  	s7 =	sld [smem:$0x3FB3]  }
0x2d: {  	s3 =	simm.s32 $0x108;
	s8 =	sld [smem:$0x3FB4]  }
0x2e: {  	s3 =	simm.s32 @!p0 $0x1082;
	s9 =	sld [smem:$0x3FB5]  }
0x2f: {  	lr =	sadd.s32 s0, s3;
	s0 =	sld [smem:$0x3FAC]  }
0x30: {  	s3 =	sld [smem:$0x3FAF]  }
0x31: {  	[smem:$0x3FB8] =	sst s10  }
0x32: {  	s10 =	sld [smem:$0x3FB6];
	_ =	sdelay $0x3  }
0x33: {  	p0 =	seq.s32 s10, $0x1;
	s10 =	sld [smem:$0x3FB8];
	_ =	sdelay $0x3  }
0x34: {  	[smem:$0x3FB8] =	sst s10  }
0x35: {  	s10 =	sld [smem:$0x3FB7];
	_ =	sdelay $0x3  }
0x36: {  	p1 =	seq.s32 s10, $0x1;
	s10 =	sld [smem:$0x3FB8];
	_ =	sdelay $0x3  }
0x37: {  	[smem:$0x3FB8] =	sst s10  }
0x38: {  	s10 =	sld [smem:$0x3FB9]  }
0x39: {  	_ = 	snop;
	(pc) =	sbr.ind lr, $3  }
0x3a: {  	_ = 	snop  }
0x3b: {  	_ = 	snop  }
0x3c: {  	p2 =	seq.s32 s10, $0x1;
	s10 =	sld [smem:$0x3FB8]  }
0x3d: {  	_ =	shalt  }
0x3e: {  	_ =	shalt  }
0x3f: {  	_ =	shalt  }
0x40: {  	_ =	shalt  }
0x41: {  	_ =	shalt  }
0x42: {  	_ =	shalt  }
0x43: {  	_ =	shalt  }
0x44: {  	_ =	shalt  }
0x45: {  	_ =	shalt  }
0x46: {  	_ =	shalt  }
0x47: {  	_ =	shalt  }
0x48: {  	_ =	shalt  }
0x49: {  	_ =	shalt  }
0x4a: {  	_ =	shalt  }
0x4b: {  	_ =	shalt  }
0x4c: {  	_ =	shalt  }
0x4d: {  	_ =	shalt  }
0x4e: {  	_ =	shalt  }
0x4f: {  	_ =	shalt  }
0x50: {  	_ =	shalt  }
0x51: {  	_ =	shalt  }
0x52: {  	_ =	shalt  }
0x53: {  	_ =	shalt  }
0x54: {  	_ =	shalt  }
0x55: {  	_ =	shalt  }
0x56: {  	_ =	shalt  }
0x57: {  	_ =	shalt  }
0x58: {  	_ =	shalt  }
0x59: {  	_ =	shalt  }
0x5a: {  	_ =	shalt  }
0x5b: {  	_ =	shalt  }
0x5c: {  	_ =	shalt  }
0x5d: {  	_ =	shalt  }
0x5e: {  	_ =	shalt  }
0x5f: {  	_ =	shalt  }
0x60: {  	_ =	shalt  }
0x61: {  	_ =	shalt  }
0x62: {  	_ =	shalt  }
0x63: {  	_ =	shalt  }
0x64: {  	_ =	shalt  }
0x65: {  	_ =	shalt  }
0x66: {  	_ =	shalt  }
0x67: {  	_ =	shalt  }
0x68: {  	_ =	shalt  }
0x69: {  	_ =	shalt  }
0x6a: {  	_ =	shalt  }
0x6b: {  	_ =	shalt  }
0x6c: {  	_ =	shalt  }
0x6d: {  	_ =	shalt  }
0x6e: {  	_ =	shalt  }
0x6f: {  	_ =	shalt  }
0x70: {  	_ =	shalt  }
0x71: {  	_ =	shalt  }
0x72: {  	_ =	shalt  }
0x73: {  	_ =	shalt  }
0x74: {  	_ =	shalt  }
0x75: {  	_ =	shalt  }
0x76: {  	_ =	shalt  }
0x77: {  	_ =	shalt  }
0x78: {  	_ =	shalt  }
0x79: {  	_ =	shalt  }
0x7a: {  	_ =	shalt  }
0x7b: {  	_ =	shalt  }
0x7c: {  	_ =	shalt  }
0x7d: {  	_ =	shalt  }
0x7e: {  	_ =	shalt  }
0x7f: {  	_ =	shalt  }
0x80: {  	_ =	shalt  }
0x81: {  	_ =	shalt  }
0x82: {  	_ =	shalt  }
0x83: {  	_ =	shalt  }
0x84: {  	_ =	shalt  }
0x85: {  	_ =	shalt  }
0x86: {  	_ =	shalt  }
0x87: {  	_ =	shalt  }
.Lfunc_end0:
.L_simem_size_0:
called_computation_lowered:
.L_overlay_start_0:
0x88: {  	s2 =	sld [smem:$0x3FD9]  }
0x89: {  	s3 =	sld [smem:$0x3FFE];
	_ =	sdelay $0x1  }
0x8a: {  	s1 =	srdreg.scid  }
0x8b: {  	s0 =	sand.u32 $0x1, s1  }
0x8c: {  	s17 =	sshll.u32 s0, $0xA;
	s2 =	sadd.s32 s3, s2  }
0x8d: {  	s2 =	sadd.s32 s2, s17  }
0x8e: {  	[smem:$0x3FC4] =	sst s2  }
0x8f: {  	_ = 	snop  }
0x90: {  	s2 =	sld [smem:$0x3FD0];
	(tm) =	ssettm $0x1  }
0x91: {  	s18 =	sld [smem:$0x3FFB];
	_ =	sdelay $0x3  }
0x92: {  	_ =	strace s18  }
0x93: {  	s3 =	sld [smem:$0x3FFC];
	_ =	sdelay $0x3  }
0x94: {  	_ =	strace s3  }
0x95: {  	s3 =	sld [smem:$0x3FFD];
	_ =	sdelay $0x3  }
0x96: {  	_ =	strace s3  }
0x97: {  	_ =	strace $0x8FFFFFFF  }
0x98: {  	s19 =	sld [smem:$0x3FDB];
	_ =	sdelay $0x1  }
0x99: {  	s4 =	simm.s32 $_scs_section_size  }
0x9a: {  	s5 =	simm.s32 $_size__tile_overlayer_lowered;
	s6 =	simm.s32 $_tile_overlayer_lowered  }
0x9b: {  	s22 =	simm.s32 $0x1BFF;
	s21 =	sshll.u32 s6, $0x1;
	s3 =	sadd.s32 s4, s19  }
0x9c: {  	s7 =	simm.s32 $0x0;
	s20 =	sshll.u32 s5, $0x1;
	s5 =	sadd.s32 s21, s3  }
0x9d: {  	[timem:s7], [sflag:s22] =	dma.local [hbm:s5], s20  }
0x9e: {  	_ =	swait.ge [sflag:s22], s20  }
0x9f: {  	s4 =	ssub.s32 $0x0, s20;
	[sflag:s22] =	ssyncset.done $0x0  }
0xa0: {  	[sflag:s22] =	ssyncadd.s32 s4;
	_ =	sdelay $0x1  }
0xa1: {  	s23 =	simm.s32 $0x1B8B  }
0xa2: {  	_ =	swait.ge [sflag:s23], $0x1  }
0xa3: {  	[sflag:s23] =	ssyncset.done $0x0  }
0xa4: {  	s25 =	simm.s32 $0x1B8E;
	s24 =	sld [smem:$0x3FFE];
	[sflag:s23] =	ssyncadd.s32 $0xFFFFFFFF  }
0xa5: {  	s26 =	simm.s32 $execute0_lowered;
	[smem:$0x3FD2] =	sst s25  }
0xa6: {  	s5 =	sshll.u32 s26, $0x1;
	_ =	strace $0x80000046;
	[dreg:$0x1] =	wrdreg $0xFFFFFFFF  }
0xa7: {  	s28 =	simm.s32 $_size_execute0_lowered;
	s3 =	sadd.s32 s3, s5;
	[dreg:$0x0] =	wrdreg $0x0  }
0xa8: {  	s5 =	sshll.u32 s28, $0x1;
	[dreg:$0x2] =	wrdreg s3  }
0xa9: {  	[dreg:$0x3] =	wrdreg s5  }
0xaa: {  	[dreg:$0x4] =	wrdreg $0xC0  }
0xab: {  	_ =	task [dreg:s7], $0x5FFFF  }
0xac: {  	[dreg:$0x1] =	wrdreg $0xFFFFFFFF  }
0xad: {  	[dreg:$0x0] =	wrdreg $0x60  }
0xae: {  	[dreg:$0x2] =	wrdreg s24  }
0xaf: {  	[dreg:$0x3] =	wrdreg s2  }
0xb0: {  	[dreg:$0x4] =	wrdreg $0x0  }
0xb1: {  	[dreg:$0x5] =	wrdreg $0x9  }
0xb2: {  	_ =	task.clear_ibuf [dreg:s7], $0x6FFFF;
	_ =	strace $0x90000046  }
0xb3: {  	s29 =	simm.s32 $0x9;
	_ =	strace $0x80000048  }
0xb4: {  	_ =	swait.ge [sflag:s29], $0x1  }
0xb5: {  	[sflag:s29] =	ssyncadd.s32 $0xFFFFFFFF  }
0xb6: {  	_ =	strace $0x90000048  }
0xb7: {  	_ =	sfence  }
0xb8: {  	s30 =	sld [smem:$0x0];
	_ =	sdelay $0x2  }
0xb9: {  	s31 =	sshll.u32 s1, $0xD;
	s1 =	sshrl.u32 s1, $0x2  }
0xba: {  	s3 =	sand.u32 $0x4000, s31;
	s1 =	sadd.s32 s1, s30  }
0xbb: {  	s0 =	sor.u32 s3, s0;
	s1 =	sshll.u32 s1, $0x11  }
0xbc: {  	s0 =	sor.u32 s1, s0  }
0xbd: {  	s0 =	sadd.s32 $0x8F2B, s0  }
0xbe: {  	[sflag:s0] =	ssyncadd.remote.s32 $0x1  }
0xbf: {  	_ =	sfence.sel $0xFFFF  }
0xc0: {  	[dreg:$0x0] =	wrdreg $0xFFFFFFFF;
	(pc) =	sbr.abs _section_cstart, $3  }
0xc1: {  	[dreg:$0x1] =	wrdreg $0xFFFFFFFF  }
0xc2: {  	_ =	task.clear_ibuf [dreg:s7], $0x2FFFF;
	_ =	strace $0x9FFFFFFF  }
0xc3: {  	(tm) =	ssettm $0x7FFFFFFF  }
tec
execute0_lowered:
.L_overlay_start_1:
0x0: {  	(tag) =	ssettag $0x1  }
0x1: {  	s6 =	rddreg [dreg:$0x0]  }
0x2: {  	s1 =	srdreg.scid;
	s9 =	rddreg [dreg:$0x1]  }
0x3: {  	s0 =	stileid.u32;
	s2 =	rddreg [dreg:$0x2]  }
0x4: {  	s3 =	simm.s32 $0x0;
	s14 =	simm.s32 $0xC8;
	s15 =	simm.s32 $0x14C8  }
0x5: {  	s16 =	simm.s32 $0x1590;
	s17 =	simm.s32 $0x1658;
	s18 =	simm.s32 $0x1720  }
0x6: {  	s19 =	simm.s32 $0x1;
	s8 =	sand.u32 $0x1, s1;
	s1 =	rddreg [dreg:$0x3]  }
0x7: {  	s20 =	simm.s32 $0x0;
	s29 =	sshll.u32 s0, $0x1;
	[smem:$0x7FF] =	sst s3  }
0x8: {  	s11 =	smul.u32 $0x1400, s0;
	s5 =	sadd.s32 $0x16800, s6;
	s12 =	sadd.s32 $0x16A00, s6  }
0x9: {  	s31 =	sshll.u32 s0, $0x6;
	s4 =	sor.u32 s8, s29;
	_ =	strace $0x80000047  }
0xa: {  	s10 =	ssub.s32 $0x2, s8;
	p0 =	seq.s32 s8, $0x1;
	s4 =	smul.u32 $0x4E2, s4  }
0xb: {  	s30 =	sshrl.u32 s10, $0x1;
	s13 =	sadd.s32 s11, s2;
	s11 =	sshrl.u32 s11, $0x3  }
0xc: {  	s9 =	smov.u32 @p0 s12;
	s12 =	simm.s32 $0x3B10;
	s10 =	ssub.s32 s10, s30  }
0xd: {  	s9 =	sadd.s32 s9, s11;
	s11 =	simm.s32 $0x2;
	s7 =	sadd.s32 s4, s6  }
0xe: {  	s4 =	sadd.s32 $0x16400, s6;
	s6 =	sor.u32 $0x1C02, s31;
	s8 =	smax.u32 s10, $0x1  }
0xf: {  	s10 =	sshrl.u32 s13, $0x3;
	s13 =	simm.s32 $0x1400;
	s7 =	sadd.s32 $0x2800, s7  }
.LBB2_1:
0x10: {  	[spmem:s10], [sflag:s6] =	dma.local [hbm:s4], $0x280  }
0x11: {  	_ =	swait.ge [sflag:s11], $0x280  }
0x12: {  	[sflag:s11] =	ssyncset.done $0x0  }
0x13: {  	[sflag:s11] =	ssyncadd.s32 $0xFFFFFD80  }
0x14: {  	[tilespmem:s12], [sflag:$0x2] =	stream.linear.gather [hbm4b:s5+s3], $0x640, $0x38;
	[tilespmem:$0x4150] =	vst v63  }
0x15: {  	_ =	swait.ge [sflag:s11], $0x640  }
0x16: {  	[sflag:s11] =	ssyncset.done $0x0  }
0x17: {  	[sflag:s11] =	ssyncadd.s32 $0xFFFFF9C0  }
0x18: {  	[tilespmem:s13], [sflag:$0x2] =	stream.linear.gather [hbm4b:s7+s3], $0x2710, $0x38;
	[tilespmem:$0x4150] =	vst v63  }
0x19: {  	_ =	swait.ge [sflag:s11], $0x2710  }
0x1a: {  	[sflag:s11] =	ssyncset.done $0x0  }
0x1b: {  	[sflag:s11] =	ssyncadd.s32 $0xFFFFD8F0  }
0x1c: {  	[bflag:$0x0] =	sbarrier.arrive $0xFFFF  }
0x1d: {  	[spmem:s2] =	stream.indirect.scatter.add.f32 [tilespmem:s12], [sflag:$0x1], $0x8, s13, s14, $0xb8;
	[tilespmem:$0x4150] =	vst v63  }
0x1e: {  	_ = 	snop  }
0x1f: {  	[spmem:s2] =	stream.indirect.scatter.add.f32 [tilespmem:s12], [sflag:$0x1], $0x8, s15, s14, $0xb8;
	[tilespmem:$0x4150] =	vst v63  }
0x20: {  	_ = 	snop  }
0x21: {  	[spmem:s2] =	stream.indirect.scatter.add.f32 [tilespmem:s12], [sflag:$0x1], $0x8, s16, s14, $0xb8;
	[tilespmem:$0x4150] =	vst v63  }
0x22: {  	_ = 	snop  }
0x23: {  	[spmem:s2] =	stream.indirect.scatter.add.f32 [tilespmem:s12], [sflag:$0x1], $0x8, s17, s14, $0xb8;
	[tilespmem:$0x4150] =	vst v63  }
0x24: {  	_ = 	snop  }
0x25: {  	[spmem:s2] =	stream.indirect.scatter.add.f32 [tilespmem:s12], [sflag:$0x1], $0x8, s18, s14, $0xb8;
	[tilespmem:$0x4150] =	vst v63  }
0x26: {  	s21 =	simm.s32 $0x17E8  }
0x27: {  	[spmem:s2] =	stream.indirect.scatter.add.f32 [tilespmem:s12], [sflag:$0x1], $0x8, s21, s14, $0xb8;
	[tilespmem:$0x4150] =	vst v63  }
0x28: {  	s28 =	simm.s32 $0x18B0  }
0x29: {  	[spmem:s2] =	stream.indirect.scatter.add.f32 [tilespmem:s12], [sflag:$0x1], $0x8, s28, s14, $0xb8;
	[tilespmem:$0x4150] =	vst v63  }
0x2a: {  	s29 =	simm.s32 $0x1978  }
0x2b: {  	[spmem:s2] =	stream.indirect.scatter.add.f32 [tilespmem:s12], [sflag:$0x1], $0x8, s29, s14, $0xb8;
	[tilespmem:$0x4150] =	vst v63  }
0x2c: {  	s30 =	simm.s32 $0x1A40  }
0x2d: {  	[spmem:s2] =	stream.indirect.scatter.add.f32 [tilespmem:s12], [sflag:$0x1], $0x8, s30, s14, $0xb8;
	[tilespmem:$0x4150] =	vst v63  }
0x2e: {  	s31 =	simm.s32 $0x1B08  }
0x2f: {  	[spmem:s2] =	stream.indirect.scatter.add.f32 [tilespmem:s12], [sflag:$0x1], $0x8, s31, s14, $0xb8;
	[tilespmem:$0x4150] =	vst v63  }
0x30: {  	_ =	swait.ge [sflag:s19], $0x640  }
0x31: {  	[sflag:s19] =	ssyncset.done $0x0  }
0x32: {  	[sflag:s19] =	ssyncadd.s32 $0xFFFFF9C0  }
0x33: {  	_ =	swait.ge [sflag:s19], $0x640  }
0x34: {  	[sflag:s19] =	ssyncset.done $0x0  }
0x35: {  	[sflag:s19] =	ssyncadd.s32 $0xFFFFF9C0  }
0x36: {  	_ =	swait.ge [sflag:s19], $0x640  }
0x37: {  	[sflag:s19] =	ssyncset.done $0x0  }
0x38: {  	[sflag:s19] =	ssyncadd.s32 $0xFFFFF9C0  }
0x39: {  	_ =	swait.ge [sflag:s19], $0x640  }
0x3a: {  	[sflag:s19] =	ssyncset.done $0x0  }
0x3b: {  	[sflag:s19] =	ssyncadd.s32 $0xFFFFF9C0  }
0x3c: {  	_ =	swait.ge [sflag:s19], $0x640  }
0x3d: {  	s22 =	simm.s32 $0xFFFF92A0;
	s21 =	simm.s32 $0xFFFFE0C0;
	[sflag:s19] =	ssyncset.done $0x0  }
.LBB2_2:
0x3e: {  	s23 =	sadd.s32 $0x3B10, s21  }
0x3f: {  	[sflag:s19] =	ssyncadd.s32 $0xFFFFF9C0;
	s24 =	smov.u32 s22;
	s25 =	sadd.s32 $0xFA0, s22  }
0x40: {  	[spmem:s2] =	stream.indirect.scatter.add.f32 [tilespmem:s12], [sflag:$0x1], $0x8, s23, s14, $0xb8;
	[tilespmem:$0x4150] =	vst v63  }
0x41: {  	p0 =	sne.s32 s22, $0xFFFFF060;
	s22 =	sadd.s32 $0x3BD8, s21  }
0x42: {  	[spmem:s2] =	stream.indirect.scatter.add.f32 [tilespmem:s12], [sflag:$0x1], $0x8, s22, s14, $0xb8;
	[tilespmem:$0x4150] =	vst v63  }
0x43: {  	s22 =	sadd.s32 $0x3CA0, s21  }
0x44: {  	[spmem:s2] =	stream.indirect.scatter.add.f32 [tilespmem:s12], [sflag:$0x1], $0x8, s22, s14, $0xb8;
	[tilespmem:$0x4150] =	vst v63  }
0x45: {  	s22 =	sadd.s32 $0x3D68, s21  }
0x46: {  	[spmem:s2] =	stream.indirect.scatter.add.f32 [tilespmem:s12], [sflag:$0x1], $0x8, s22, s14, $0xb8;
	[tilespmem:$0x4150] =	vst v63  }
0x47: {  	s21 =	sadd.s32 $0x3E30, s21  }
0x48: {  	[spmem:s2] =	stream.indirect.scatter.add.f32 [tilespmem:s12], [sflag:$0x1], $0x8, s21, s14, $0xb8;
	[tilespmem:$0x4150] =	vst v63  }
0x49: {  	_ =	swait.ge [sflag:s19], $0x640  }
0x4a: {  	[sflag:s19] =	ssyncset.done $0x0  }
0x4b: {  	[sflag:s19] =	ssyncadd.s32 $0xFFFFF9C0  }
0x4c: {  	_ =	swait.ge [sflag:s19], $0x640  }
0x4d: {  	[sflag:s19] =	ssyncset.done $0x0  }
0x4e: {  	[sflag:s19] =	ssyncadd.s32 $0xFFFFF9C0  }
0x4f: {  	_ =	swait.ge [sflag:s19], $0x640  }
0x50: {  	[sflag:s19] =	ssyncset.done $0x0  }
0x51: {  	[sflag:s19] =	ssyncadd.s32 $0xFFFFF9C0  }
.Ltmp0:
0x52: {  	_ =	swait.ge [sflag:s19], $0x640;
	(pc) =	sbr.rel @p0 .LBB2_2-.Ltmp0, $4  }
0x53: {  	[sflag:s19] =	ssyncset.done $0x0  }
0x54: {  	[sflag:s19] =	ssyncadd.s32 $0xFFFFF9C0  }
0x55: {  	_ =	swait.ge [sflag:s19], $0x640  }
0x56: {  	s22 =	smov.u32 s25;
	s21 =	sshra.s32 s24, $0x2;
	[sflag:s19] =	ssyncset.done $0x0  }
0x57: {  	s22 =	sadd.s32 $0x3B10, s21;
	[sflag:s19] =	ssyncadd.s32 $0xFFFFF9C0  }
0x58: {  	[spmem:s2] =	stream.indirect.scatter.add.f32 [tilespmem:s12], [sflag:$0x1], $0x8, s22, s14, $0xb8;
	[tilespmem:$0x4150] =	vst v63  }
0x59: {  	s28 =	sadd.s32 $0x3BD8, s21  }
0x5a: {  	[spmem:s2] =	stream.indirect.scatter.add.f32 [tilespmem:s12], [sflag:$0x1], $0x8, s28, s14, $0xb8;
	[tilespmem:$0x4150] =	vst v63  }
0x5b: {  	s29 =	sadd.s32 $0x3CA0, s21  }
0x5c: {  	[spmem:s2] =	stream.indirect.scatter.add.f32 [tilespmem:s12], [sflag:$0x1], $0x8, s29, s14, $0xb8;
	[tilespmem:$0x4150] =	vst v63  }
0x5d: {  	s30 =	sadd.s32 $0x3D68, s21  }
0x5e: {  	[spmem:s2] =	stream.indirect.scatter.add.f32 [tilespmem:s12], [sflag:$0x1], $0x8, s30, s14, $0xb8;
	[tilespmem:$0x4150] =	vst v63  }
0x5f: {  	s31 =	sadd.s32 $0x3E30, s21  }
0x60: {  	[spmem:s2] =	stream.indirect.scatter.add.f32 [tilespmem:s12], [sflag:$0x1], $0x8, s31, s14, $0xb8;
	[tilespmem:$0x4150] =	vst v63  }
0x61: {  	_ =	swait.ge [sflag:s19], $0x640  }
0x62: {  	[sflag:s19] =	ssyncset.done $0x0  }
0x63: {  	[sflag:s19] =	ssyncadd.s32 $0xFFFFF9C0  }
0x64: {  	_ =	swait.ge [sflag:s19], $0x640  }
0x65: {  	[sflag:s19] =	ssyncset.done $0x0  }
0x66: {  	[sflag:s19] =	ssyncadd.s32 $0xFFFFF9C0  }
0x67: {  	_ =	swait.ge [sflag:s19], $0x640  }
0x68: {  	[sflag:s19] =	ssyncset.done $0x0  }
0x69: {  	[sflag:s19] =	ssyncadd.s32 $0xFFFFF9C0  }
0x6a: {  	_ =	swait.ge [sflag:s19], $0x640  }
0x6b: {  	[sflag:s19] =	ssyncset.done $0x0  }
0x6c: {  	[sflag:s19] =	ssyncadd.s32 $0xFFFFF9C0  }
0x6d: {  	_ =	swait.ge [sflag:s19], $0x640  }
0x6e: {  	[sflag:s19] =	ssyncset.done $0x0  }
0x6f: {  	[sflag:s19] =	ssyncadd.s32 $0xFFFFF9C0  }
0x70: {  	_ =	swait.ge [sflag:s19], $0x640  }
0x71: {  	[sflag:s19] =	ssyncset.done $0x0  }
0x72: {  	[sflag:s19] =	ssyncadd.s32 $0xFFFFF9C0  }
0x73: {  	_ =	swait.ge [sflag:s19], $0x640  }
0x74: {  	[sflag:s19] =	ssyncset.done $0x0  }
0x75: {  	[sflag:s19] =	ssyncadd.s32 $0xFFFFF9C0  }
0x76: {  	_ =	swait.ge [sflag:s19], $0x640  }
0x77: {  	[sflag:s19] =	ssyncset.done $0x0  }
0x78: {  	[sflag:s19] =	ssyncadd.s32 $0xFFFFF9C0  }
0x79: {  	_ =	swait.ge [sflag:s19], $0x640  }
0x7a: {  	[sflag:s19] =	ssyncset.done $0x0  }
0x7b: {  	[sflag:s19] =	ssyncadd.s32 $0xFFFFF9C0  }
0x7c: {  	_ =	swait.ge [sflag:s19], $0x640  }
0x7d: {  	s20 =	sadd.s32 $0x1, s20;
	[sflag:s19] =	ssyncset.done $0x0  }
0x7e: {  	p0 =	sne.s32 s20, s8;
	[sflag:s19] =	ssyncadd.s32 $0xFFFFF9C0  }
.Ltmp1:
0x7f: {  	[bflag:$0x0] =	sbarrier.arrive $0xFFFF;
	(pc) =	sbr.rel @p0 .LBB2_1-.Ltmp1, $4  }
0x80: {  	[hbm:s9], [sflag:s6] =	dma.local [spmem:s10], $0x280  }
0x81: {  	_ =	swait.ge [sflag:s11], $0x280  }
0x82: {  	[sflag:s11] =	ssyncset.done $0x0  }
0x83: {  	[sflag:s11] =	ssyncadd.s32 $0xFFFFFD80  }
0x84: {  	_ =	sfence.sel $0x180000  }
0x85: {  	[bflag:$0x0] =	sbarrier.arrive $0xFFFF  }
0x86: {  	p0 =	sne.s32 s0, $0x0;
	_ =	strace $0x90000047  }
0x87: {  	s0 =	sadd.s32 @!p0 $0x100000, s1;
	[bflag:$0x2] =	sbarrier.arrive $0xFFFF  }
0x88: {  	[sflag:s0] =	ssyncadd.tile.s32 @!p0 $0x1;
	_ =	shalt  }
.Lfunc_end2:
_tile_overlayer_lowered:
.L_overlay_start_2:
0x89: {  	(tag) =	ssettag $0x2  }
0x8a: {  	s0 =	rddreg [dreg:$0x0];
	s2 =	stileid.u32  }
0x8b: {  	s1 =	rddreg [dreg:$0x1];
	p0 =	sne.s32 s2, $0x0  }
0x8c: {  	s3 =	rddreg [dreg:$0x2];
	[bflag:$0x3] =	sbarrier.arrive $0xFFFF;
	s2 =	simm.s32 @!p0 $0x1C02  }
0x8d: {  	[timem:s3], [sflag:s2] =	dma.local @!p0 [hbm:s0], s1  }
0x8e: {  	s0 =	simm.s32 @!p0 $0x2  }
0x8f: {  	_ =	swait.ge @!p0 [sflag:s0], s1  }
0x90: {  	s1 =	ssub.s32 @!p0 $0x0, s1;
	[sflag:s0] =	ssyncset.done @!p0 $0x0  }
0x91: {  	[sflag:s0] =	ssyncadd.s32 @!p0 s1  }
0x92: {  	[bflag:$0x3] =	sbarrier.arrive $0xFFFF  }
0x93: {  	_ =	shalt  }

</sc_bundles>
